<compile_context>
chip_gen: v7x
topology: tpu7x:2x2x1
jax: 0.10.2.dev20260603
libtpu: 0.0.44.dev20260713+nightly
codegen_flags: <defaults>
</compile_context>

<pallas_src>
import functools

import jax
import jax.numpy as jnp
from jax import lax
from jax.experimental import pallas as pl
from jax.experimental.pallas import tpu as pltpu
from jax.experimental.pallas import tpu_sc as plsc

_B, _F, _D = 1024, 26, 1000
_W = _F * _D
_NC, _NS, _L = 2, 16, 16
_NW = _NC * _NS
_RPW = _B // _NW
_EPR = 2 * _L


def _sc_body(cols_hbm, zeros_hbm, out_hbm, cols_v, buf):
    wid = lax.axis_index("s") * _NC + lax.axis_index("c")
    pltpu.sync_copy(cols_hbm.at[pl.ds(wid * _RPW * _EPR, _RPW * _EPR)], cols_v)
    pltpu.sync_copy(zeros_hbm, buf)
    ones = jnp.full((_L,), 1.0, jnp.float32)
    zeros = jnp.zeros((_L,), jnp.float32)
    for r in range(_RPW):
        c0 = cols_v[pl.ds(r * _EPR, _L)]
        c1 = cols_v[pl.ds(r * _EPR + _L, _L)]
        plsc.store_scatter(buf, [c0], ones)
        plsc.store_scatter(buf, [c1], ones)
        pltpu.sync_copy(buf, out_hbm.at[wid * _RPW + r])
        plsc.store_scatter(buf, [c0], zeros)
        plsc.store_scatter(buf, [c1], zeros)


def kernel(tensor):
    B, F = tensor.shape
    t = tensor.astype(jnp.int32)
    f_idx = jnp.arange(F, dtype=jnp.int32)[None, :]
    cols = f_idx * _D + t
    cols = jnp.concatenate(
        [cols, jnp.broadcast_to(cols[:, :1], (B, _EPR - F))], axis=1
    ).reshape(-1)
    zeros_row = jnp.zeros((_W,), jnp.float32)

    mesh = plsc.VectorSubcoreMesh(core_axis_name="c", subcore_axis_name="s")
    run = functools.partial(
        pl.kernel,
        mesh=mesh,
        out_type=jax.ShapeDtypeStruct((B, _W), jnp.float32),
        compiler_params=pltpu.CompilerParams(needs_layout_passes=False),
        scratch_types=[
            pltpu.VMEM((_RPW * _EPR,), jnp.int32),
            pltpu.VMEM((_W,), jnp.float32),
        ],
    )(_sc_body)
    return run(cols, zeros_row)

# --- scband reference (transcript-rebuilt; emitter-appended) ---
"""Pipeline reference for scband-one-hot-encoder-61005715472603 (READ-ONLY COPY).

The authoritative reference and input builder live on the scoring server;
editing this copy changes nothing except your own understanding.
"""

import jax, jax.numpy as jnp
import numpy as np

D_IN = [1000] * 26

def setup_inputs(seed: int = 0) -> dict:
    key = jax.random.key(seed)
    tensor = jax.random.randint(key, (1024, 26), 0, 1000)
    return {"tensor": tensor}

def reference(tensor):
    B = tensor.shape[0]
    rows = jnp.arange(B)
    outs = []
    for i in range(tensor.shape[1]):
        # scatter-overwrite: onehot_i.scatter_(1, tensor[:, i:i+1], 1)
        onehot_i = jnp.zeros((B, D_IN[i]), dtype=jnp.float32).at[rows, tensor[:, i]].set(1.0)
        outs.append(onehot_i)
    onehot = jnp.concatenate(outs, axis=1)
    return onehot

if __name__ == "__main__":
    import jax
    _d = setup_inputs()
    print(jax.jit(kernel)(*tuple(_d.values())))

</pallas_src>

<mosaic_0001>
#map = affine_map<(d0, d1) -> (0)>
#map1 = affine_map<(d0, d1) -> (0, 0)>
module attributes {stable_mosaic.version = 14 : i64} {
  func.func @_sc_body(%arg0: i32, %arg1: i32, %arg2: memref<32768xi32, #tpu.memory_space<hbm>>, %arg3: memref<26000xf32, #tpu.memory_space<hbm>>, %arg4: memref<1024x26000xf32, #tpu.memory_space<hbm>>, %arg5: memref<1024xi32, #tpu.memory_space<vmem>>, %arg6: memref<26000xf32, #tpu.memory_space<vmem>>) attributes {dimension_semantics = [#tpu.dimension_semantics<core_parallel>, #tpu.dimension_semantics<subcore_parallel>], iteration_bounds = array<i64: 2, 16>, scalar_prefetch = 0 : i64, scratch_operands = 2 : i64, tpu.core_type = #tpu.core_type<sc_vector_subcore>, window_params = [{transform_indices = #map}, {transform_indices = #map}, {transform_indices = #map1}]} {
    %mul3A = arith.constant 2 : i32
    %mul3A_0 = arith.muli %arg1, %mul3A : i32
    %add3A = arith.addi %mul3A_0, %arg0 : i32
    %mul3A_1 = arith.constant 32 : i32
    %mul3A_2 = arith.muli %add3A, %mul3A_1 : i32
    %mul3A_3 = arith.constant 32 : i32
    %mul3A_4 = arith.muli %mul3A_2, %mul3A_3 : i32
    "tpu.region"() ({
      %run_scoped3A = tpu.sem_alloc : memref<!tpu.dma_semaphore, #tpu.memory_space<semaphore_mem>>
      %dma_start3A = tpu.memref_slice %arg2[%mul3A_4] : memref<32768xi32, #tpu.memory_space<hbm>> -> memref<1024xi32, #tpu.memory_space<hbm>>
      %dma_start3A_263 = tpu.memref_slice %arg2[%mul3A_4] : memref<32768xi32, #tpu.memory_space<hbm>> -> memref<1024xi32, #tpu.memory_space<hbm>>
      tpu.enqueue_dma source(%dma_start3A_263 : memref<1024xi32, #tpu.memory_space<hbm>>) target(%arg5 : memref<1024xi32, #tpu.memory_space<vmem>>) target_semaphore(%run_scoped3A : memref<!tpu.dma_semaphore, #tpu.memory_space<semaphore_mem>>)
      %dma_wait3A = tpu.memref_slice %arg2[%mul3A_4] : memref<32768xi32, #tpu.memory_space<hbm>> -> memref<1024xi32, #tpu.memory_space<hbm>>
      %dma_wait3A_264 = tpu.memref_slice %arg2[%mul3A_4] : memref<32768xi32, #tpu.memory_space<hbm>> -> memref<1024xi32, #tpu.memory_space<hbm>>
      tpu.wait_dma2 semaphore(%run_scoped3A : memref<!tpu.dma_semaphore, #tpu.memory_space<semaphore_mem>>) src(%dma_wait3A_264 : memref<1024xi32, #tpu.memory_space<hbm>>) dst(%arg5 : memref<1024xi32, #tpu.memory_space<vmem>>)
      tpu.yield
    }) : () -> ()
    "tpu.region"() ({
      %run_scoped3A = tpu.sem_alloc : memref<!tpu.dma_semaphore, #tpu.memory_space<semaphore_mem>>
      tpu.enqueue_dma source(%arg3 : memref<26000xf32, #tpu.memory_space<hbm>>) target(%arg6 : memref<26000xf32, #tpu.memory_space<vmem>>) target_semaphore(%run_scoped3A : memref<!tpu.dma_semaphore, #tpu.memory_space<semaphore_mem>>)
      tpu.wait_dma2 semaphore(%run_scoped3A : memref<!tpu.dma_semaphore, #tpu.memory_space<semaphore_mem>>) src(%arg3 : memref<26000xf32, #tpu.memory_space<hbm>>) dst(%arg6 : memref<26000xf32, #tpu.memory_space<vmem>>)
      tpu.yield
    }) : () -> ()
    %broadcast_in_dim3A = arith.constant 1.000000e+00 : f32
    %broadcast_in_dim3A_5 = vector.broadcast %broadcast_in_dim3A : f32 to vector<16xf32>
    %broadcast_in_dim3A_6 = arith.constant 0.000000e+00 : f32
    %broadcast_in_dim3A_7 = vector.broadcast %broadcast_in_dim3A_6 : f32 to vector<16xf32>
    %get3A = arith.constant 0 : index
    %get3A_8 = tpu.vector_load %arg5[%get3A] {strides = array<i32>} : memref<1024xi32, #tpu.memory_space<vmem>>, vector<16xi32>,
    %get3A_9 = arith.constant 16 : index
    %get3A_10 = tpu.vector_load %arg5[%get3A_9] {strides = array<i32>} : memref<1024xi32, #tpu.memory_space<vmem>>, vector<16xi32>,
    tpu.vector_store_idx %arg6[%get3A_8], %broadcast_in_dim3A_5 : memref<26000xf32, #tpu.memory_space<vmem>>[vector<16xi32>], vector<16xf32>,
    tpu.vector_store_idx %arg6[%get3A_10], %broadcast_in_dim3A_5 : memref<26000xf32, #tpu.memory_space<vmem>>[vector<16xi32>], vector<16xf32>,
    %mul3A_11 = arith.constant 32 : i32
    %mul3A_12 = arith.muli %add3A, %mul3A_11 : i32
    %add3A_13 = arith.constant 0 : i32
    %add3A_14 = arith.addi %mul3A_12, %add3A_13 : i32
    "tpu.region"() ({
      %run_scoped3A = tpu.sem_alloc : memref<!tpu.dma_semaphore, #tpu.memory_space<semaphore_mem>>
      %dma_start3A = arith.constant 0 : i32
      %dma_start3A_263 = tpu.memref_slice %arg4[%add3A_14, %dma_start3A] : memref<1024x26000xf32, #tpu.memory_space<hbm>> -> memref<1x26000xf32, #tpu.memory_space<hbm>>
      %dma_start3A_264 = tpu.memref_squeeze %dma_start3A_263 : memref<1x26000xf32, #tpu.memory_space<hbm>> -> memref<26000xf32, #tpu.memory_space<hbm>>
      %dma_start3A_265 = arith.constant 0 : i32
      %dma_start3A_266 = tpu.memref_slice %arg4[%add3A_14, %dma_start3A_265] : memref<1024x26000xf32, #tpu.memory_space<hbm>> -> memref<1x26000xf32, #tpu.memory_space<hbm>>
      %dma_start3A_267 = tpu.memref_squeeze %dma_start3A_266 : memref<1x26000xf32, #tpu.memory_space<hbm>> -> memref<26000xf32, #tpu.memory_space<hbm>>
      tpu.enqueue_dma source(%arg6 : memref<26000xf32, #tpu.memory_space<vmem>>) target(%dma_start3A_267 : memref<26000xf32, #tpu.memory_space<hbm>>) target_semaphore(%run_scoped3A : memref<!tpu.dma_semaphore, #tpu.memory_space<semaphore_mem>>)
      %dma_wait3A = arith.constant 0 : i32
      %dma_wait3A_268 = tpu.memref_slice %arg4[%add3A_14, %dma_wait3A] : memref<1024x26000xf32, #tpu.memory_space<hbm>> -> memref<1x26000xf32, #tpu.memory_space<hbm>>
      %dma_wait3A_269 = tpu.memref_squeeze %dma_wait3A_268 : memref<1x26000xf32, #tpu.memory_space<hbm>> -> memref<26000xf32, #tpu.memory_space<hbm>>
      %dma_wait3A_270 = arith.constant 0 : i32
      %dma_wait3A_271 = tpu.memref_slice %arg4[%add3A_14, %dma_wait3A_270] : memref<1024x26000xf32, #tpu.memory_space<hbm>> -> memref<1x26000xf32, #tpu.memory_space<hbm>>
      %dma_wait3A_272 = tpu.memref_squeeze %dma_wait3A_271 : memref<1x26000xf32, #tpu.memory_space<hbm>> -> memref<26000xf32, #tpu.memory_space<hbm>>
      tpu.wait_dma2 semaphore(%run_scoped3A : memref<!tpu.dma_semaphore, #tpu.memory_space<semaphore_mem>>) src(%arg6 : memref<26000xf32, #tpu.memory_space<vmem>>) dst(%dma_wait3A_272 : memref<26000xf32, #tpu.memory_space<hbm>>)
      tpu.yield
    }) : () -> ()
    tpu.vector_store_idx %arg6[%get3A_8], %broadcast_in_dim3A_7 : memref<26000xf32, #tpu.memory_space<vmem>>[vector<16xi32>], vector<16xf32>,
    tpu.vector_store_idx %arg6[%get3A_10], %broadcast_in_dim3A_7 : memref<26000xf32, #tpu.memory_space<vmem>>[vector<16xi32>], vector<16xf32>,
    %get3A_15 = arith.constant 32 : index
    %get3A_16 = tpu.vector_load %arg5[%get3A_15] {strides = array<i32>} : memref<1024xi32, #tpu.memory_space<vmem>>, vector<16xi32>,
    %get3A_17 = arith.constant 48 : index
    %get3A_18 = tpu.vector_load %arg5[%get3A_17] {strides = array<i32>} : memref<1024xi32, #tpu.memory_space<vmem>>, vector<16xi32>,
    tpu.vector_store_idx %arg6[%get3A_16], %broadcast_in_dim3A_5 : memref<26000xf32, #tpu.memory_space<vmem>>[vector<16xi32>], vector<16xf32>,
    tpu.vector_store_idx %arg6[%get3A_18], %broadcast_in_dim3A_5 : memref<26000xf32, #tpu.memory_space<vmem>>[vector<16xi32>], vector<16xf32>,
    %mul3A_19 = arith.constant 32 : i32
    %mul3A_20 = arith.muli %add3A, %mul3A_19 : i32
    %add3A_21 = arith.constant 1 : i32
    %add3A_22 = arith.addi %mul3A_20, %add3A_21 : i32
    "tpu.region"() ({
      %run_scoped3A = tpu.sem_alloc : memref<!tpu.dma_semaphore, #tpu.memory_space<semaphore_mem>>
      %dma_start3A = arith.constant 0 : i32
      %dma_start3A_263 = tpu.memref_slice %arg4[%add3A_22, %dma_start3A] : memref<1024x26000xf32, #tpu.memory_space<hbm>> -> memref<1x26000xf32, #tpu.memory_space<hbm>>
      %dma_start3A_264 = tpu.memref_squeeze %dma_start3A_263 : memref<1x26000xf32, #tpu.memory_space<hbm>> -> memref<26000xf32, #tpu.memory_space<hbm>>
      %dma_start3A_265 = arith.constant 0 : i32
      %dma_start3A_266 = tpu.memref_slice %arg4[%add3A_22, %dma_start3A_265] : memref<1024x26000xf32, #tpu.memory_space<hbm>> -> memref<1x26000xf32, #tpu.memory_space<hbm>>
      %dma_start3A_267 = tpu.memref_squeeze %dma_start3A_266 : memref<1x26000xf32, #tpu.memory_space<hbm>> -> memref<26000xf32, #tpu.memory_space<hbm>>
      tpu.enqueue_dma source(%arg6 : memref<26000xf32, #tpu.memory_space<vmem>>) target(%dma_start3A_267 : memref<26000xf32, #tpu.memory_space<hbm>>) target_semaphore(%run_scoped3A : memref<!tpu.dma_semaphore, #tpu.memory_space<semaphore_mem>>)
      %dma_wait3A = arith.constant 0 : i32
      %dma_wait3A_268 = tpu.memref_slice %arg4[%add3A_22, %dma_wait3A] : memref<1024x26000xf32, #tpu.memory_space<hbm>> -> memref<1x26000xf32, #tpu.memory_space<hbm>>
      %dma_wait3A_269 = tpu.memref_squeeze %dma_wait3A_268 : memref<1x26000xf32, #tpu.memory_space<hbm>> -> memref<26000xf32, #tpu.memory_space<hbm>>
      %dma_wait3A_270 = arith.constant 0 : i32
      %dma_wait3A_271 = tpu.memref_slice %arg4[%add3A_22, %dma_wait3A_270] : memref<1024x26000xf32, #tpu.memory_space<hbm>> -> memref<1x26000xf32, #tpu.memory_space<hbm>>
      %dma_wait3A_272 = tpu.memref_squeeze %dma_wait3A_271 : memref<1x26000xf32, #tpu.memory_space<hbm>> -> memref<26000xf32, #tpu.memory_space<hbm>>
      tpu.wait_dma2 semaphore(%run_scoped3A : memref<!tpu.dma_semaphore, #tpu.memory_space<semaphore_mem>>) src(%arg6 : memref<26000xf32, #tpu.memory_space<vmem>>) dst(%dma_wait3A_272 : memref<26000xf32, #tpu.memory_space<hbm>>)
      tpu.yield
    }) : () -> ()
    tpu.vector_store_idx %arg6[%get3A_16], %broadcast_in_dim3A_7 : memref<26000xf32, #tpu.memory_space<vmem>>[vector<16xi32>], vector<16xf32>,
    tpu.vector_store_idx %arg6[%get3A_18], %broadcast_in_dim3A_7 : memref<26000xf32, #tpu.memory_space<vmem>>[vector<16xi32>], vector<16xf32>,
    %get3A_23 = arith.constant 64 : index
    %get3A_24 = tpu.vector_load %arg5[%get3A_23] {strides = array<i32>} : memref<1024xi32, #tpu.memory_space<vmem>>, vector<16xi32>,
    %get3A_25 = arith.constant 80 : index
    %get3A_26 = tpu.vector_load %arg5[%get3A_25] {strides = array<i32>} : memref<1024xi32, #tpu.memory_space<vmem>>, vector<16xi32>,
    tpu.vector_store_idx %arg6[%get3A_24], %broadcast_in_dim3A_5 : memref<26000xf32, #tpu.memory_space<vmem>>[vector<16xi32>], vector<16xf32>,
    tpu.vector_store_idx %arg6[%get3A_26], %broadcast_in_dim3A_5 : memref<26000xf32, #tpu.memory_space<vmem>>[vector<16xi32>], vector<16xf32>,
    %mul3A_27 = arith.constant 32 : i32
    %mul3A_28 = arith.muli %add3A, %mul3A_27 : i32
    %add3A_29 = arith.constant 2 : i32
    %add3A_30 = arith.addi %mul3A_28, %add3A_29 : i32
    "tpu.region"() ({
      %run_scoped3A = tpu.sem_alloc : memref<!tpu.dma_semaphore, #tpu.memory_space<semaphore_mem>>
      %dma_start3A = arith.constant 0 : i32
      %dma_start3A_263 = tpu.memref_slice %arg4[%add3A_30, %dma_start3A] : memref<1024x26000xf32, #tpu.memory_space<hbm>> -> memref<1x26000xf32, #tpu.memory_space<hbm>>
      %dma_start3A_264 = tpu.memref_squeeze %dma_start3A_263 : memref<1x26000xf32, #tpu.memory_space<hbm>> -> memref<26000xf32, #tpu.memory_space<hbm>>
      %dma_start3A_265 = arith.constant 0 : i32
      %dma_start3A_266 = tpu.memref_slice %arg4[%add3A_30, %dma_start3A_265] : memref<1024x26000xf32, #tpu.memory_space<hbm>> -> memref<1x26000xf32, #tpu.memory_space<hbm>>
      %dma_start3A_267 = tpu.memref_squeeze %dma_start3A_266 : memref<1x26000xf32, #tpu.memory_space<hbm>> -> memref<26000xf32, #tpu.memory_space<hbm>>
      tpu.enqueue_dma source(%arg6 : memref<26000xf32, #tpu.memory_space<vmem>>) target(%dma_start3A_267 : memref<26000xf32, #tpu.memory_space<hbm>>) target_semaphore(%run_scoped3A : memref<!tpu.dma_semaphore, #tpu.memory_space<semaphore_mem>>)
      %dma_wait3A = arith.constant 0 : i32
      %dma_wait3A_268 = tpu.memref_slice %arg4[%add3A_30, %dma_wait3A] : memref<1024x26000xf32, #tpu.memory_space<hbm>> -> memref<1x26000xf32, #tpu.memory_space<hbm>>
      %dma_wait3A_269 = tpu.memref_squeeze %dma_wait3A_268 : memref<1x26000xf32, #tpu.memory_space<hbm>> -> memref<26000xf32, #tpu.memory_space<hbm>>
      %dma_wait3A_270 = arith.constant 0 : i32
      %dma_wait3A_271 = tpu.memref_slice %arg4[%add3A_30, %dma_wait3A_270] : memref<1024x26000xf32, #tpu.memory_space<hbm>> -> memref<1x26000xf32, #tpu.memory_space<hbm>>
      %dma_wait3A_272 = tpu.memref_squeeze %dma_wait3A_271 : memref<1x26000xf32, #tpu.memory_space<hbm>> -> memref<26000xf32, #tpu.memory_space<hbm>>
      tpu.wait_dma2 semaphore(%run_scoped3A : memref<!tpu.dma_semaphore, #tpu.memory_space<semaphore_mem>>) src(%arg6 : memref<26000xf32, #tpu.memory_space<vmem>>) dst(%dma_wait3A_272 : memref<26000xf32, #tpu.memory_space<hbm>>)
      tpu.yield
    }) : () -> ()
    tpu.vector_store_idx %arg6[%get3A_24], %broadcast_in_dim3A_7 : memref<26000xf32, #tpu.memory_space<vmem>>[vector<16xi32>], vector<16xf32>,
    tpu.vector_store_idx %arg6[%get3A_26], %broadcast_in_dim3A_7 : memref<26000xf32, #tpu.memory_space<vmem>>[vector<16xi32>], vector<16xf32>,
    %get3A_31 = arith.constant 96 : index
    %get3A_32 = tpu.vector_load %arg5[%get3A_31] {strides = array<i32>} : memref<1024xi32, #tpu.memory_space<vmem>>, vector<16xi32>,
    %get3A_33 = arith.constant 112 : index
    %get3A_34 = tpu.vector_load %arg5[%get3A_33] {strides = array<i32>} : memref<1024xi32, #tpu.memory_space<vmem>>, vector<16xi32>,
    tpu.vector_store_idx %arg6[%get3A_32], %broadcast_in_dim3A_5 : memref<26000xf32, #tpu.memory_space<vmem>>[vector<16xi32>], vector<16xf32>,
    tpu.vector_store_idx %arg6[%get3A_34], %broadcast_in_dim3A_5 : memref<26000xf32, #tpu.memory_space<vmem>>[vector<16xi32>], vector<16xf32>,
    %mul3A_35 = arith.constant 32 : i32
    %mul3A_36 = arith.muli %add3A, %mul3A_35 : i32
    %add3A_37 = arith.constant 3 : i32
    %add3A_38 = arith.addi %mul3A_36, %add3A_37 : i32
    "tpu.region"() ({
      %run_scoped3A = tpu.sem_alloc : memref<!tpu.dma_semaphore, #tpu.memory_space<semaphore_mem>>
      %dma_start3A = arith.constant 0 : i32
      %dma_start3A_263 = tpu.memref_slice %arg4[%add3A_38, %dma_start3A] : memref<1024x26000xf32, #tpu.memory_space<hbm>> -> memref<1x26000xf32, #tpu.memory_space<hbm>>
      %dma_start3A_264 = tpu.memref_squeeze %dma_start3A_263 : memref<1x26000xf32, #tpu.memory_space<hbm>> -> memref<26000xf32, #tpu.memory_space<hbm>>
      %dma_start3A_265 = arith.constant 0 : i32
      %dma_start3A_266 = tpu.memref_slice %arg4[%add3A_38, %dma_start3A_265] : memref<1024x26000xf32, #tpu.memory_space<hbm>> -> memref<1x26000xf32, #tpu.memory_space<hbm>>
      %dma_start3A_267 = tpu.memref_squeeze %dma_start3A_266 : memref<1x26000xf32, #tpu.memory_space<hbm>> -> memref<26000xf32, #tpu.memory_space<hbm>>
      tpu.enqueue_dma source(%arg6 : memref<26000xf32, #tpu.memory_space<vmem>>) target(%dma_start3A_267 : memref<26000xf32, #tpu.memory_space<hbm>>) target_semaphore(%run_scoped3A : memref<!tpu.dma_semaphore, #tpu.memory_space<semaphore_mem>>)
      %dma_wait3A = arith.constant 0 : i32
      %dma_wait3A_268 = tpu.memref_slice %arg4[%add3A_38, %dma_wait3A] : memref<1024x26000xf32, #tpu.memory_space<hbm>> -> memref<1x26000xf32, #tpu.memory_space<hbm>>
      %dma_wait3A_269 = tpu.memref_squeeze %dma_wait3A_268 : memref<1x26000xf32, #tpu.memory_space<hbm>> -> memref<26000xf32, #tpu.memory_space<hbm>>
      %dma_wait3A_270 = arith.constant 0 : i32
      %dma_wait3A_271 = tpu.memref_slice %arg4[%add3A_38, %dma_wait3A_270] : memref<1024x26000xf32, #tpu.memory_space<hbm>> -> memref<1x26000xf32, #tpu.memory_space<hbm>>
      %dma_wait3A_272 = tpu.memref_squeeze %dma_wait3A_271 : memref<1x26000xf32, #tpu.memory_space<hbm>> -> memref<26000xf32, #tpu.memory_space<hbm>>
      tpu.wait_dma2 semaphore(%run_scoped3A : memref<!tpu.dma_semaphore, #tpu.memory_space<semaphore_mem>>) src(%arg6 : memref<26000xf32, #tpu.memory_space<vmem>>) dst(%dma_wait3A_272 : memref<26000xf32, #tpu.memory_space<hbm>>)
      tpu.yield
    }) : () -> ()
    tpu.vector_store_idx %arg6[%get3A_32], %broadcast_in_dim3A_7 : memref<26000xf32, #tpu.memory_space<vmem>>[vector<16xi32>], vector<16xf32>,
    tpu.vector_store_idx %arg6[%get3A_34], %broadcast_in_dim3A_7 : memref<26000xf32, #tpu.memory_space<vmem>>[vector<16xi32>], vector<16xf32>,
    %get3A_39 = arith.constant 128 : index
    %get3A_40 = tpu.vector_load %arg5[%get3A_39] {strides = array<i32>} : memref<1024xi32, #tpu.memory_space<vmem>>, vector<16xi32>,
    %get3A_41 = arith.constant 144 : index
    %get3A_42 = tpu.vector_load %arg5[%get3A_41] {strides = array<i32>} : memref<1024xi32, #tpu.memory_space<vmem>>, vector<16xi32>,
    tpu.vector_store_idx %arg6[%get3A_40], %broadcast_in_dim3A_5 : memref<26000xf32, #tpu.memory_space<vmem>>[vector<16xi32>], vector<16xf32>,
    tpu.vector_store_idx %arg6[%get3A_42], %broadcast_in_dim3A_5 : memref<26000xf32, #tpu.memory_space<vmem>>[vector<16xi32>], vector<16xf32>,
    %mul3A_43 = arith.constant 32 : i32
    %mul3A_44 = arith.muli %add3A, %mul3A_43 : i32
    %add3A_45 = arith.constant 4 : i32
    %add3A_46 = arith.addi %mul3A_44, %add3A_45 : i32
    "tpu.region"() ({
      %run_scoped3A = tpu.sem_alloc : memref<!tpu.dma_semaphore, #tpu.memory_space<semaphore_mem>>
      %dma_start3A = arith.constant 0 : i32
      %dma_start3A_263 = tpu.memref_slice %arg4[%add3A_46, %dma_start3A] : memref<1024x26000xf32, #tpu.memory_space<hbm>> -> memref<1x26000xf32, #tpu.memory_space<hbm>>
      %dma_start3A_264 = tpu.memref_squeeze %dma_start3A_263 : memref<1x26000xf32, #tpu.memory_space<hbm>> -> memref<26000xf32, #tpu.memory_space<hbm>>
      %dma_start3A_265 = arith.constant 0 : i32
      %dma_start3A_266 = tpu.memref_slice %arg4[%add3A_46, %dma_start3A_265] : memref<1024x26000xf32, #tpu.memory_space<hbm>> -> memref<1x26000xf32, #tpu.memory_space<hbm>>
      %dma_start3A_267 = tpu.memref_squeeze %dma_start3A_266 : memref<1x26000xf32, #tpu.memory_space<hbm>> -> memref<26000xf32, #tpu.memory_space<hbm>>
      tpu.enqueue_dma source(%arg6 : memref<26000xf32, #tpu.memory_space<vmem>>) target(%dma_start3A_267 : memref<26000xf32, #tpu.memory_space<hbm>>) target_semaphore(%run_scoped3A : memref<!tpu.dma_semaphore, #tpu.memory_space<semaphore_mem>>)
      %dma_wait3A = arith.constant 0 : i32
      %dma_wait3A_268 = tpu.memref_slice %arg4[%add3A_46, %dma_wait3A] : memref<1024x26000xf32, #tpu.memory_space<hbm>> -> memref<1x26000xf32, #tpu.memory_space<hbm>>
      %dma_wait3A_269 = tpu.memref_squeeze %dma_wait3A_268 : memref<1x26000xf32, #tpu.memory_space<hbm>> -> memref<26000xf32, #tpu.memory_space<hbm>>
      %dma_wait3A_270 = arith.constant 0 : i32
      %dma_wait3A_271 = tpu.memref_slice %arg4[%add3A_46, %dma_wait3A_270] : memref<1024x26000xf32, #tpu.memory_space<hbm>> -> memref<1x26000xf32, #tpu.memory_space<hbm>>
      %dma_wait3A_272 = tpu.memref_squeeze %dma_wait3A_271 : memref<1x26000xf32, #tpu.memory_space<hbm>> -> memref<26000xf32, #tpu.memory_space<hbm>>
      tpu.wait_dma2 semaphore(%run_scoped3A : memref<!tpu.dma_semaphore, #tpu.memory_space<semaphore_mem>>) src(%arg6 : memref<26000xf32, #tpu.memory_space<vmem>>) dst(%dma_wait3A_272 : memref<26000xf32, #tpu.memory_space<hbm>>)
      tpu.yield
    }) : () -> ()
    tpu.vector_store_idx %arg6[%get3A_40], %broadcast_in_dim3A_7 : memref<26000xf32, #tpu.memory_space<vmem>>[vector<16xi32>], vector<16xf32>,
    tpu.vector_store_idx %arg6[%get3A_42], %broadcast_in_dim3A_7 : memref<26000xf32, #tpu.memory_space<vmem>>[vector<16xi32>], vector<16xf32>,
    %get3A_47 = arith.constant 160 : index
    %get3A_48 = tpu.vector_load %arg5[%get3A_47] {strides = array<i32>} : memref<1024xi32, #tpu.memory_space<vmem>>, vector<16xi32>,
    %get3A_49 = arith.constant 176 : index
    %get3A_50 = tpu.vector_load %arg5[%get3A_49] {strides = array<i32>} : memref<1024xi32, #tpu.memory_space<vmem>>, vector<16xi32>,
    tpu.vector_store_idx %arg6[%get3A_48], %broadcast_in_dim3A_5 : memref<26000xf32, #tpu.memory_space<vmem>>[vector<16xi32>], vector<16xf32>,
    tpu.vector_store_idx %arg6[%get3A_50], %broadcast_in_dim3A_5 : memref<26000xf32, #tpu.memory_space<vmem>>[vector<16xi32>], vector<16xf32>,
    %mul3A_51 = arith.constant 32 : i32
    %mul3A_52 = arith.muli %add3A, %mul3A_51 : i32
    %add3A_53 = arith.constant 5 : i32
    %add3A_54 = arith.addi %mul3A_52, %add3A_53 : i32
    "tpu.region"() ({
      %run_scoped3A = tpu.sem_alloc : memref<!tpu.dma_semaphore, #tpu.memory_space<semaphore_mem>>
      %dma_start3A = arith.constant 0 : i32
      %dma_start3A_263 = tpu.memref_slice %arg4[%add3A_54, %dma_start3A] : memref<1024x26000xf32, #tpu.memory_space<hbm>> -> memref<1x26000xf32, #tpu.memory_space<hbm>>
      %dma_start3A_264 = tpu.memref_squeeze %dma_start3A_263 : memref<1x26000xf32, #tpu.memory_space<hbm>> -> memref<26000xf32, #tpu.memory_space<hbm>>
      %dma_start3A_265 = arith.constant 0 : i32
      %dma_start3A_266 = tpu.memref_slice %arg4[%add3A_54, %dma_start3A_265] : memref<1024x26000xf32, #tpu.memory_space<hbm>> -> memref<1x26000xf32, #tpu.memory_space<hbm>>
      %dma_start3A_267 = tpu.memref_squeeze %dma_start3A_266 : memref<1x26000xf32, #tpu.memory_space<hbm>> -> memref<26000xf32, #tpu.memory_space<hbm>>
      tpu.enqueue_dma source(%arg6 : memref<26000xf32, #tpu.memory_space<vmem>>) target(%dma_start3A_267 : memref<26000xf32, #tpu.memory_space<hbm>>) target_semaphore(%run_scoped3A : memref<!tpu.dma_semaphore, #tpu.memory_space<semaphore_mem>>)
      %dma_wait3A = arith.constant 0 : i32
      %dma_wait3A_268 = tpu.memref_slice %arg4[%add3A_54, %dma_wait3A] : memref<1024x26000xf32, #tpu.memory_space<hbm>> -> memref<1x26000xf32, #tpu.memory_space<hbm>>
      %dma_wait3A_269 = tpu.memref_squeeze %dma_wait3A_268 : memref<1x26000xf32, #tpu.memory_space<hbm>> -> memref<26000xf32, #tpu.memory_space<hbm>>
      %dma_wait3A_270 = arith.constant 0 : i32
      %dma_wait3A_271 = tpu.memref_slice %arg4[%add3A_54, %dma_wait3A_270] : memref<1024x26000xf32, #tpu.memory_space<hbm>> -> memref<1x26000xf32, #tpu.memory_space<hbm>>
      %dma_wait3A_272 = tpu.memref_squeeze %dma_wait3A_271 : memref<1x26000xf32, #tpu.memory_space<hbm>> -> memref<26000xf32, #tpu.memory_space<hbm>>
      tpu.wait_dma2 semaphore(%run_scoped3A : memref<!tpu.dma_semaphore, #tpu.memory_space<semaphore_mem>>) src(%arg6 : memref<26000xf32, #tpu.memory_space<vmem>>) dst(%dma_wait3A_272 : memref<26000xf32, #tpu.memory_space<hbm>>)
      tpu.yield
    }) : () -> ()
    tpu.vector_store_idx %arg6[%get3A_48], %broadcast_in_dim3A_7 : memref<26000xf32, #tpu.memory_space<vmem>>[vector<16xi32>], vector<16xf32>,
    tpu.vector_store_idx %arg6[%get3A_50], %broadcast_in_dim3A_7 : memref<26000xf32, #tpu.memory_space<vmem>>[vector<16xi32>], vector<16xf32>,
    %get3A_55 = arith.constant 192 : index
    %get3A_56 = tpu.vector_load %arg5[%get3A_55] {strides = array<i32>} : memref<1024xi32, #tpu.memory_space<vmem>>, vector<16xi32>,
    %get3A_57 = arith.constant 208 : index
    %get3A_58 = tpu.vector_load %arg5[%get3A_57] {strides = array<i32>} : memref<1024xi32, #tpu.memory_space<vmem>>, vector<16xi32>,
    tpu.vector_store_idx %arg6[%get3A_56], %broadcast_in_dim3A_5 : memref<26000xf32, #tpu.memory_space<vmem>>[vector<16xi32>], vector<16xf32>,
    tpu.vector_store_idx %arg6[%get3A_58], %broadcast_in_dim3A_5 : memref<26000xf32, #tpu.memory_space<vmem>>[vector<16xi32>], vector<16xf32>,
    %mul3A_59 = arith.constant 32 : i32
    %mul3A_60 = arith.muli %add3A, %mul3A_59 : i32
    %add3A_61 = arith.constant 6 : i32
    %add3A_62 = arith.addi %mul3A_60, %add3A_61 : i32
    "tpu.region"() ({
      %run_scoped3A = tpu.sem_alloc : memref<!tpu.dma_semaphore, #tpu.memory_space<semaphore_mem>>
      %dma_start3A = arith.constant 0 : i32
      %dma_start3A_263 = tpu.memref_slice %arg4[%add3A_62, %dma_start3A] : memref<1024x26000xf32, #tpu.memory_space<hbm>> -> memref<1x26000xf32, #tpu.memory_space<hbm>>
      %dma_start3A_264 = tpu.memref_squeeze %dma_start3A_263 : memref<1x26000xf32, #tpu.memory_space<hbm>> -> memref<26000xf32, #tpu.memory_space<hbm>>
      %dma_start3A_265 = arith.constant 0 : i32
      %dma_start3A_266 = tpu.memref_slice %arg4[%add3A_62, %dma_start3A_265] : memref<1024x26000xf32, #tpu.memory_space<hbm>> -> memref<1x26000xf32, #tpu.memory_space<hbm>>
      %dma_start3A_267 = tpu.memref_squeeze %dma_start3A_266 : memref<1x26000xf32, #tpu.memory_space<hbm>> -> memref<26000xf32, #tpu.memory_space<hbm>>
      tpu.enqueue_dma source(%arg6 : memref<26000xf32, #tpu.memory_space<vmem>>) target(%dma_start3A_267 : memref<26000xf32, #tpu.memory_space<hbm>>) target_semaphore(%run_scoped3A : memref<!tpu.dma_semaphore, #tpu.memory_space<semaphore_mem>>)
      %dma_wait3A = arith.constant 0 : i32
      %dma_wait3A_268 = tpu.memref_slice %arg4[%add3A_62, %dma_wait3A] : memref<1024x26000xf32, #tpu.memory_space<hbm>> -> memref<1x26000xf32, #tpu.memory_space<hbm>>
      %dma_wait3A_269 = tpu.memref_squeeze %dma_wait3A_268 : memref<1x26000xf32, #tpu.memory_space<hbm>> -> memref<26000xf32, #tpu.memory_space<hbm>>
      %dma_wait3A_270 = arith.constant 0 : i32
      %dma_wait3A_271 = tpu.memref_slice %arg4[%add3A_62, %dma_wait3A_270] : memref<1024x26000xf32, #tpu.memory_space<hbm>> -> memref<1x26000xf32, #tpu.memory_space<hbm>>
      %dma_wait3A_272 = tpu.memref_squeeze %dma_wait3A_271 : memref<1x26000xf32, #tpu.memory_space<hbm>> -> memref<26000xf32, #tpu.memory_space<hbm>>
      tpu.wait_dma2 semaphore(%run_scoped3A : memref<!tpu.dma_semaphore, #tpu.memory_space<semaphore_mem>>) src(%arg6 : memref<26000xf32, #tpu.memory_space<vmem>>) dst(%dma_wait3A_272 : memref<26000xf32, #tpu.memory_space<hbm>>)
      tpu.yield
    }) : () -> ()
    tpu.vector_store_idx %arg6[%get3A_56], %broadcast_in_dim3A_7 : memref<26000xf32, #tpu.memory_space<vmem>>[vector<16xi32>], vector<16xf32>,
    tpu.vector_store_idx %arg6[%get3A_58], %broadcast_in_dim3A_7 : memref<26000xf32, #tpu.memory_space<vmem>>[vector<16xi32>], vector<16xf32>,
    %get3A_63 = arith.constant 224 : index
    %get3A_64 = tpu.vector_load %arg5[%get3A_63] {strides = array<i32>} : memref<1024xi32, #tpu.memory_space<vmem>>, vector<16xi32>,
    %get3A_65 = arith.constant 240 : index
    %get3A_66 = tpu.vector_load %arg5[%get3A_65] {strides = array<i32>} : memref<1024xi32, #tpu.memory_space<vmem>>, vector<16xi32>,
    tpu.vector_store_idx %arg6[%get3A_64], %broadcast_in_dim3A_5 : memref<26000xf32, #tpu.memory_space<vmem>>[vector<16xi32>], vector<16xf32>,
    tpu.vector_store_idx %arg6[%get3A_66], %broadcast_in_dim3A_5 : memref<26000xf32, #tpu.memory_space<vmem>>[vector<16xi32>], vector<16xf32>,
    %mul3A_67 = arith.constant 32 : i32
    %mul3A_68 = arith.muli %add3A, %mul3A_67 : i32
    %add3A_69 = arith.constant 7 : i32
    %add3A_70 = arith.addi %mul3A_68, %add3A_69 : i32
    "tpu.region"() ({
      %run_scoped3A = tpu.sem_alloc : memref<!tpu.dma_semaphore, #tpu.memory_space<semaphore_mem>>
      %dma_start3A = arith.constant 0 : i32
      %dma_start3A_263 = tpu.memref_slice %arg4[%add3A_70, %dma_start3A] : memref<1024x26000xf32, #tpu.memory_space<hbm>> -> memref<1x26000xf32, #tpu.memory_space<hbm>>
      %dma_start3A_264 = tpu.memref_squeeze %dma_start3A_263 : memref<1x26000xf32, #tpu.memory_space<hbm>> -> memref<26000xf32, #tpu.memory_space<hbm>>
      %dma_start3A_265 = arith.constant 0 : i32
      %dma_start3A_266 = tpu.memref_slice %arg4[%add3A_70, %dma_start3A_265] : memref<1024x26000xf32, #tpu.memory_space<hbm>> -> memref<1x26000xf32, #tpu.memory_space<hbm>>
      %dma_start3A_267 = tpu.memref_squeeze %dma_start3A_266 : memref<1x26000xf32, #tpu.memory_space<hbm>> -> memref<26000xf32, #tpu.memory_space<hbm>>
      tpu.enqueue_dma source(%arg6 : memref<26000xf32, #tpu.memory_space<vmem>>) target(%dma_start3A_267 : memref<26000xf32, #tpu.memory_space<hbm>>) target_semaphore(%run_scoped3A : memref<!tpu.dma_semaphore, #tpu.memory_space<semaphore_mem>>)
      %dma_wait3A = arith.constant 0 : i32
      %dma_wait3A_268 = tpu.memref_slice %arg4[%add3A_70, %dma_wait3A] : memref<1024x26000xf32, #tpu.memory_space<hbm>> -> memref<1x26000xf32, #tpu.memory_space<hbm>>
      %dma_wait3A_269 = tpu.memref_squeeze %dma_wait3A_268 : memref<1x26000xf32, #tpu.memory_space<hbm>> -> memref<26000xf32, #tpu.memory_space<hbm>>
      %dma_wait3A_270 = arith.constant 0 : i32
      %dma_wait3A_271 = tpu.memref_slice %arg4[%add3A_70, %dma_wait3A_270] : memref<1024x26000xf32, #tpu.memory_space<hbm>> -> memref<1x26000xf32, #tpu.memory_space<hbm>>
      %dma_wait3A_272 = tpu.memref_squeeze %dma_wait3A_271 : memref<1x26000xf32, #tpu.memory_space<hbm>> -> memref<26000xf32, #tpu.memory_space<hbm>>
      tpu.wait_dma2 semaphore(%run_scoped3A : memref<!tpu.dma_semaphore, #tpu.memory_space<semaphore_mem>>) src(%arg6 : memref<26000xf32, #tpu.memory_space<vmem>>) dst(%dma_wait3A_272 : memref<26000xf32, #tpu.memory_space<hbm>>)
      tpu.yield
    }) : () -> ()
    tpu.vector_store_idx %arg6[%get3A_64], %broadcast_in_dim3A_7 : memref<26000xf32, #tpu.memory_space<vmem>>[vector<16xi32>], vector<16xf32>,
    tpu.vector_store_idx %arg6[%get3A_66], %broadcast_in_dim3A_7 : memref<26000xf32, #tpu.memory_space<vmem>>[vector<16xi32>], vector<16xf32>,
    %get3A_71 = arith.constant 256 : index
    %get3A_72 = tpu.vector_load %arg5[%get3A_71] {strides = array<i32>} : memref<1024xi32, #tpu.memory_space<vmem>>, vector<16xi32>,
    %get3A_73 = arith.constant 272 : index
    %get3A_74 = tpu.vector_load %arg5[%get3A_73] {strides = array<i32>} : memref<1024xi32, #tpu.memory_space<vmem>>, vector<16xi32>,
    tpu.vector_store_idx %arg6[%get3A_72], %broadcast_in_dim3A_5 : memref<26000xf32, #tpu.memory_space<vmem>>[vector<16xi32>], vector<16xf32>,
    tpu.vector_store_idx %arg6[%get3A_74], %broadcast_in_dim3A_5 : memref<26000xf32, #tpu.memory_space<vmem>>[vector<16xi32>], vector<16xf32>,
    %mul3A_75 = arith.constant 32 : i32
    %mul3A_76 = arith.muli %add3A, %mul3A_75 : i32
    %add3A_77 = arith.constant 8 : i32
    %add3A_78 = arith.addi %mul3A_76, %add3A_77 : i32
    "tpu.region"() ({
      %run_scoped3A = tpu.sem_alloc : memref<!tpu.dma_semaphore, #tpu.memory_space<semaphore_mem>>
      %dma_start3A = arith.constant 0 : i32
      %dma_start3A_263 = tpu.memref_slice %arg4[%add3A_78, %dma_start3A] : memref<1024x26000xf32, #tpu.memory_space<hbm>> -> memref<1x26000xf32, #tpu.memory_space<hbm>>
      %dma_start3A_264 = tpu.memref_squeeze %dma_start3A_263 : memref<1x26000xf32, #tpu.memory_space<hbm>> -> memref<26000xf32, #tpu.memory_space<hbm>>
      %dma_start3A_265 = arith.constant 0 : i32
      %dma_start3A_266 = tpu.memref_slice %arg4[%add3A_78, %dma_start3A_265] : memref<1024x26000xf32, #tpu.memory_space<hbm>> -> memref<1x26000xf32, #tpu.memory_space<hbm>>
      %dma_start3A_267 = tpu.memref_squeeze %dma_start3A_266 : memref<1x26000xf32, #tpu.memory_space<hbm>> -> memref<26000xf32, #tpu.memory_space<hbm>>
      tpu.enqueue_dma source(%arg6 : memref<26000xf32, #tpu.memory_space<vmem>>) target(%dma_start3A_267 : memref<26000xf32, #tpu.memory_space<hbm>>) target_semaphore(%run_scoped3A : memref<!tpu.dma_semaphore, #tpu.memory_space<semaphore_mem>>)
      %dma_wait3A = arith.constant 0 : i32
      %dma_wait3A_268 = tpu.memref_slice %arg4[%add3A_78, %dma_wait3A] : memref<1024x26000xf32, #tpu.memory_space<hbm>> -> memref<1x26000xf32, #tpu.memory_space<hbm>>
      %dma_wait3A_269 = tpu.memref_squeeze %dma_wait3A_268 : memref<1x26000xf32, #tpu.memory_space<hbm>> -> memref<26000xf32, #tpu.memory_space<hbm>>
      %dma_wait3A_270 = arith.constant 0 : i32
      %dma_wait3A_271 = tpu.memref_slice %arg4[%add3A_78, %dma_wait3A_270] : memref<1024x26000xf32, #tpu.memory_space<hbm>> -> memref<1x26000xf32, #tpu.memory_space<hbm>>
      %dma_wait3A_272 = tpu.memref_squeeze %dma_wait3A_271 : memref<1x26000xf32, #tpu.memory_space<hbm>> -> memref<26000xf32, #tpu.memory_space<hbm>>
      tpu.wait_dma2 semaphore(%run_scoped3A : memref<!tpu.dma_semaphore, #tpu.memory_space<semaphore_mem>>) src(%arg6 : memref<26000xf32, #tpu.memory_space<vmem>>) dst(%dma_wait3A_272 : memref<26000xf32, #tpu.memory_space<hbm>>)
      tpu.yield
    }) : () -> ()
    tpu.vector_store_idx %arg6[%get3A_72], %broadcast_in_dim3A_7 : memref<26000xf32, #tpu.memory_space<vmem>>[vector<16xi32>], vector<16xf32>,
    tpu.vector_store_idx %arg6[%get3A_74], %broadcast_in_dim3A_7 : memref<26000xf32, #tpu.memory_space<vmem>>[vector<16xi32>], vector<16xf32>,
    %get3A_79 = arith.constant 288 : index
    %get3A_80 = tpu.vector_load %arg5[%get3A_79] {strides = array<i32>} : memref<1024xi32, #tpu.memory_space<vmem>>, vector<16xi32>,
    %get3A_81 = arith.constant 304 : index
    %get3A_82 = tpu.vector_load %arg5[%get3A_81] {strides = array<i32>} : memref<1024xi32, #tpu.memory_space<vmem>>, vector<16xi32>,
    tpu.vector_store_idx %arg6[%get3A_80], %broadcast_in_dim3A_5 : memref<26000xf32, #tpu.memory_space<vmem>>[vector<16xi32>], vector<16xf32>,
    tpu.vector_store_idx %arg6[%get3A_82], %broadcast_in_dim3A_5 : memref<26000xf32, #tpu.memory_space<vmem>>[vector<16xi32>], vector<16xf32>,
    %mul3A_83 = arith.constant 32 : i32
    %mul3A_84 = arith.muli %add3A, %mul3A_83 : i32
    %add3A_85 = arith.constant 9 : i32
    %add3A_86 = arith.addi %mul3A_84, %add3A_85 : i32
    "tpu.region"() ({
      %run_scoped3A = tpu.sem_alloc : memref<!tpu.dma_semaphore, #tpu.memory_space<semaphore_mem>>
      %dma_start3A = arith.constant 0 : i32
      %dma_start3A_263 = tpu.memref_slice %arg4[%add3A_86, %dma_start3A] : memref<1024x26000xf32, #tpu.memory_space<hbm>> -> memref<1x26000xf32, #tpu.memory_space<hbm>>
      %dma_start3A_264 = tpu.memref_squeeze %dma_start3A_263 : memref<1x26000xf32, #tpu.memory_space<hbm>> -> memref<26000xf32, #tpu.memory_space<hbm>>
      %dma_start3A_265 = arith.constant 0 : i32
      %dma_start3A_266 = tpu.memref_slice %arg4[%add3A_86, %dma_start3A_265] : memref<1024x26000xf32, #tpu.memory_space<hbm>> -> memref<1x26000xf32, #tpu.memory_space<hbm>>
      %dma_start3A_267 = tpu.memref_squeeze %dma_start3A_266 : memref<1x26000xf32, #tpu.memory_space<hbm>> -> memref<26000xf32, #tpu.memory_space<hbm>>
      tpu.enqueue_dma source(%arg6 : memref<26000xf32, #tpu.memory_space<vmem>>) target(%dma_start3A_267 : memref<26000xf32, #tpu.memory_space<hbm>>) target_semaphore(%run_scoped3A : memref<!tpu.dma_semaphore, #tpu.memory_space<semaphore_mem>>)
      %dma_wait3A = arith.constant 0 : i32
      %dma_wait3A_268 = tpu.memref_slice %arg4[%add3A_86, %dma_wait3A] : memref<1024x26000xf32, #tpu.memory_space<hbm>> -> memref<1x26000xf32, #tpu.memory_space<hbm>>
      %dma_wait3A_269 = tpu.memref_squeeze %dma_wait3A_268 : memref<1x26000xf32, #tpu.memory_space<hbm>> -> memref<26000xf32, #tpu.memory_space<hbm>>
      %dma_wait3A_270 = arith.constant 0 : i32
      %dma_wait3A_271 = tpu.memref_slice %arg4[%add3A_86, %dma_wait3A_270] : memref<1024x26000xf32, #tpu.memory_space<hbm>> -> memref<1x26000xf32, #tpu.memory_space<hbm>>
      %dma_wait3A_272 = tpu.memref_squeeze %dma_wait3A_271 : memref<1x26000xf32, #tpu.memory_space<hbm>> -> memref<26000xf32, #tpu.memory_space<hbm>>
      tpu.wait_dma2 semaphore(%run_scoped3A : memref<!tpu.dma_semaphore, #tpu.memory_space<semaphore_mem>>) src(%arg6 : memref<26000xf32, #tpu.memory_space<vmem>>) dst(%dma_wait3A_272 : memref<26000xf32, #tpu.memory_space<hbm>>)
      tpu.yield
    }) : () -> ()
    tpu.vector_store_idx %arg6[%get3A_80], %broadcast_in_dim3A_7 : memref<26000xf32, #tpu.memory_space<vmem>>[vector<16xi32>], vector<16xf32>,
    tpu.vector_store_idx %arg6[%get3A_82], %broadcast_in_dim3A_7 : memref<26000xf32, #tpu.memory_space<vmem>>[vector<16xi32>], vector<16xf32>,
    %get3A_87 = arith.constant 320 : index
    %get3A_88 = tpu.vector_load %arg5[%get3A_87] {strides = array<i32>} : memref<1024xi32, #tpu.memory_space<vmem>>, vector<16xi32>,
    %get3A_89 = arith.constant 336 : index
    %get3A_90 = tpu.vector_load %arg5[%get3A_89] {strides = array<i32>} : memref<1024xi32, #tpu.memory_space<vmem>>, vector<16xi32>,
    tpu.vector_store_idx %arg6[%get3A_88], %broadcast_in_dim3A_5 : memref<26000xf32, #tpu.memory_space<vmem>>[vector<16xi32>], vector<16xf32>,
    tpu.vector_store_idx %arg6[%get3A_90], %broadcast_in_dim3A_5 : memref<26000xf32, #tpu.memory_space<vmem>>[vector<16xi32>], vector<16xf32>,
    %mul3A_91 = arith.constant 32 : i32
    %mul3A_92 = arith.muli %add3A, %mul3A_91 : i32
    %add3A_93 = arith.constant 10 : i32
    %add3A_94 = arith.addi %mul3A_92, %add3A_93 : i32
    "tpu.region"() ({
      %run_scoped3A = tpu.sem_alloc : memref<!tpu.dma_semaphore, #tpu.memory_space<semaphore_mem>>
      %dma_start3A = arith.constant 0 : i32
      %dma_start3A_263 = tpu.memref_slice %arg4[%add3A_94, %dma_start3A] : memref<1024x26000xf32, #tpu.memory_space<hbm>> -> memref<1x26000xf32, #tpu.memory_space<hbm>>
      %dma_start3A_264 = tpu.memref_squeeze %dma_start3A_263 : memref<1x26000xf32, #tpu.memory_space<hbm>> -> memref<26000xf32, #tpu.memory_space<hbm>>
      %dma_start3A_265 = arith.constant 0 : i32
      %dma_start3A_266 = tpu.memref_slice %arg4[%add3A_94, %dma_start3A_265] : memref<1024x26000xf32, #tpu.memory_space<hbm>> -> memref<1x26000xf32, #tpu.memory_space<hbm>>
      %dma_start3A_267 = tpu.memref_squeeze %dma_start3A_266 : memref<1x26000xf32, #tpu.memory_space<hbm>> -> memref<26000xf32, #tpu.memory_space<hbm>>
      tpu.enqueue_dma source(%arg6 : memref<26000xf32, #tpu.memory_space<vmem>>) target(%dma_start3A_267 : memref<26000xf32, #tpu.memory_space<hbm>>) target_semaphore(%run_scoped3A : memref<!tpu.dma_semaphore, #tpu.memory_space<semaphore_mem>>)
      %dma_wait3A = arith.constant 0 : i32
      %dma_wait3A_268 = tpu.memref_slice %arg4[%add3A_94, %dma_wait3A] : memref<1024x26000xf32, #tpu.memory_space<hbm>> -> memref<1x26000xf32, #tpu.memory_space<hbm>>
      %dma_wait3A_269 = tpu.memref_squeeze %dma_wait3A_268 : memref<1x26000xf32, #tpu.memory_space<hbm>> -> memref<26000xf32, #tpu.memory_space<hbm>>
      %dma_wait3A_270 = arith.constant 0 : i32
      %dma_wait3A_271 = tpu.memref_slice %arg4[%add3A_94, %dma_wait3A_270] : memref<1024x26000xf32, #tpu.memory_space<hbm>> -> memref<1x26000xf32, #tpu.memory_space<hbm>>
      %dma_wait3A_272 = tpu.memref_squeeze %dma_wait3A_271 : memref<1x26000xf32, #tpu.memory_space<hbm>> -> memref<26000xf32, #tpu.memory_space<hbm>>
      tpu.wait_dma2 semaphore(%run_scoped3A : memref<!tpu.dma_semaphore, #tpu.memory_space<semaphore_mem>>) src(%arg6 : memref<26000xf32, #tpu.memory_space<vmem>>) dst(%dma_wait3A_272 : memref<26000xf32, #tpu.memory_space<hbm>>)
      tpu.yield
    }) : () -> ()
    tpu.vector_store_idx %arg6[%get3A_88], %broadcast_in_dim3A_7 : memref<26000xf32, #tpu.memory_space<vmem>>[vector<16xi32>], vector<16xf32>,
    tpu.vector_store_idx %arg6[%get3A_90], %broadcast_in_dim3A_7 : memref<26000xf32, #tpu.memory_space<vmem>>[vector<16xi32>], vector<16xf32>,
    %get3A_95 = arith.constant 352 : index
    %get3A_96 = tpu.vector_load %arg5[%get3A_95] {strides = array<i32>} : memref<1024xi32, #tpu.memory_space<vmem>>, vector<16xi32>,
    %get3A_97 = arith.constant 368 : index
    %get3A_98 = tpu.vector_load %arg5[%get3A_97] {strides = array<i32>} : memref<1024xi32, #tpu.memory_space<vmem>>, vector<16xi32>,
    tpu.vector_store_idx %arg6[%get3A_96], %broadcast_in_dim3A_5 : memref<26000xf32, #tpu.memory_space<vmem>>[vector<16xi32>], vector<16xf32>,
    tpu.vector_store_idx %arg6[%get3A_98], %broadcast_in_dim3A_5 : memref<26000xf32, #tpu.memory_space<vmem>>[vector<16xi32>], vector<16xf32>,
    %mul3A_99 = arith.constant 32 : i32
    %mul3A_100 = arith.muli %add3A, %mul3A_99 : i32
    %add3A_101 = arith.constant 11 : i32
    %add3A_102 = arith.addi %mul3A_100, %add3A_101 : i32
    "tpu.region"() ({
      %run_scoped3A = tpu.sem_alloc : memref<!tpu.dma_semaphore, #tpu.memory_space<semaphore_mem>>
      %dma_start3A = arith.constant 0 : i32
      %dma_start3A_263 = tpu.memref_slice %arg4[%add3A_102, %dma_start3A] : memref<1024x26000xf32, #tpu.memory_space<hbm>> -> memref<1x26000xf32, #tpu.memory_space<hbm>>
      %dma_start3A_264 = tpu.memref_squeeze %dma_start3A_263 : memref<1x26000xf32, #tpu.memory_space<hbm>> -> memref<26000xf32, #tpu.memory_space<hbm>>
      %dma_start3A_265 = arith.constant 0 : i32
      %dma_start3A_266 = tpu.memref_slice %arg4[%add3A_102, %dma_start3A_265] : memref<1024x26000xf32, #tpu.memory_space<hbm>> -> memref<1x26000xf32, #tpu.memory_space<hbm>>
      %dma_start3A_267 = tpu.memref_squeeze %dma_start3A_266 : memref<1x26000xf32, #tpu.memory_space<hbm>> -> memref<26000xf32, #tpu.memory_space<hbm>>
      tpu.enqueue_dma source(%arg6 : memref<26000xf32, #tpu.memory_space<vmem>>) target(%dma_start3A_267 : memref<26000xf32, #tpu.memory_space<hbm>>) target_semaphore(%run_scoped3A : memref<!tpu.dma_semaphore, #tpu.memory_space<semaphore_mem>>)
      %dma_wait3A = arith.constant 0 : i32
      %dma_wait3A_268 = tpu.memref_slice %arg4[%add3A_102, %dma_wait3A] : memref<1024x26000xf32, #tpu.memory_space<hbm>> -> memref<1x26000xf32, #tpu.memory_space<hbm>>
      %dma_wait3A_269 = tpu.memref_squeeze %dma_wait3A_268 : memref<1x26000xf32, #tpu.memory_space<hbm>> -> memref<26000xf32, #tpu.memory_space<hbm>>
      %dma_wait3A_270 = arith.constant 0 : i32
      %dma_wait3A_271 = tpu.memref_slice %arg4[%add3A_102, %dma_wait3A_270] : memref<1024x26000xf32, #tpu.memory_space<hbm>> -> memref<1x26000xf32, #tpu.memory_space<hbm>>
      %dma_wait3A_272 = tpu.memref_squeeze %dma_wait3A_271 : memref<1x26000xf32, #tpu.memory_space<hbm>> -> memref<26000xf32, #tpu.memory_space<hbm>>
      tpu.wait_dma2 semaphore(%run_scoped3A : memref<!tpu.dma_semaphore, #tpu.memory_space<semaphore_mem>>) src(%arg6 : memref<26000xf32, #tpu.memory_space<vmem>>) dst(%dma_wait3A_272 : memref<26000xf32, #tpu.memory_space<hbm>>)
      tpu.yield
    }) : () -> ()
    tpu.vector_store_idx %arg6[%get3A_96], %broadcast_in_dim3A_7 : memref<26000xf32, #tpu.memory_space<vmem>>[vector<16xi32>], vector<16xf32>,
    tpu.vector_store_idx %arg6[%get3A_98], %broadcast_in_dim3A_7 : memref<26000xf32, #tpu.memory_space<vmem>>[vector<16xi32>], vector<16xf32>,
    %get3A_103 = arith.constant 384 : index
    %get3A_104 = tpu.vector_load %arg5[%get3A_103] {strides = array<i32>} : memref<1024xi32, #tpu.memory_space<vmem>>, vector<16xi32>,
    %get3A_105 = arith.constant 400 : index
    %get3A_106 = tpu.vector_load %arg5[%get3A_105] {strides = array<i32>} : memref<1024xi32, #tpu.memory_space<vmem>>, vector<16xi32>,
    tpu.vector_store_idx %arg6[%get3A_104], %broadcast_in_dim3A_5 : memref<26000xf32, #tpu.memory_space<vmem>>[vector<16xi32>], vector<16xf32>,
    tpu.vector_store_idx %arg6[%get3A_106], %broadcast_in_dim3A_5 : memref<26000xf32, #tpu.memory_space<vmem>>[vector<16xi32>], vector<16xf32>,
    %mul3A_107 = arith.constant 32 : i32
    %mul3A_108 = arith.muli %add3A, %mul3A_107 : i32
    %add3A_109 = arith.constant 12 : i32
    %add3A_110 = arith.addi %mul3A_108, %add3A_109 : i32
    "tpu.region"() ({
      %run_scoped3A = tpu.sem_alloc : memref<!tpu.dma_semaphore, #tpu.memory_space<semaphore_mem>>
      %dma_start3A = arith.constant 0 : i32
      %dma_start3A_263 = tpu.memref_slice %arg4[%add3A_110, %dma_start3A] : memref<1024x26000xf32, #tpu.memory_space<hbm>> -> memref<1x26000xf32, #tpu.memory_space<hbm>>
      %dma_start3A_264 = tpu.memref_squeeze %dma_start3A_263 : memref<1x26000xf32, #tpu.memory_space<hbm>> -> memref<26000xf32, #tpu.memory_space<hbm>>
      %dma_start3A_265 = arith.constant 0 : i32
      %dma_start3A_266 = tpu.memref_slice %arg4[%add3A_110, %dma_start3A_265] : memref<1024x26000xf32, #tpu.memory_space<hbm>> -> memref<1x26000xf32, #tpu.memory_space<hbm>>
      %dma_start3A_267 = tpu.memref_squeeze %dma_start3A_266 : memref<1x26000xf32, #tpu.memory_space<hbm>> -> memref<26000xf32, #tpu.memory_space<hbm>>
      tpu.enqueue_dma source(%arg6 : memref<26000xf32, #tpu.memory_space<vmem>>) target(%dma_start3A_267 : memref<26000xf32, #tpu.memory_space<hbm>>) target_semaphore(%run_scoped3A : memref<!tpu.dma_semaphore, #tpu.memory_space<semaphore_mem>>)
      %dma_wait3A = arith.constant 0 : i32
      %dma_wait3A_268 = tpu.memref_slice %arg4[%add3A_110, %dma_wait3A] : memref<1024x26000xf32, #tpu.memory_space<hbm>> -> memref<1x26000xf32, #tpu.memory_space<hbm>>
      %dma_wait3A_269 = tpu.memref_squeeze %dma_wait3A_268 : memref<1x26000xf32, #tpu.memory_space<hbm>> -> memref<26000xf32, #tpu.memory_space<hbm>>
      %dma_wait3A_270 = arith.constant 0 : i32
      %dma_wait3A_271 = tpu.memref_slice %arg4[%add3A_110, %dma_wait3A_270] : memref<1024x26000xf32, #tpu.memory_space<hbm>> -> memref<1x26000xf32, #tpu.memory_space<hbm>>
      %dma_wait3A_272 = tpu.memref_squeeze %dma_wait3A_271 : memref<1x26000xf32, #tpu.memory_space<hbm>> -> memref<26000xf32, #tpu.memory_space<hbm>>
      tpu.wait_dma2 semaphore(%run_scoped3A : memref<!tpu.dma_semaphore, #tpu.memory_space<semaphore_mem>>) src(%arg6 : memref<26000xf32, #tpu.memory_space<vmem>>) dst(%dma_wait3A_272 : memref<26000xf32, #tpu.memory_space<hbm>>)
      tpu.yield
    }) : () -> ()
    tpu.vector_store_idx %arg6[%get3A_104], %broadcast_in_dim3A_7 : memref<26000xf32, #tpu.memory_space<vmem>>[vector<16xi32>], vector<16xf32>,
    tpu.vector_store_idx %arg6[%get3A_106], %broadcast_in_dim3A_7 : memref<26000xf32, #tpu.memory_space<vmem>>[vector<16xi32>], vector<16xf32>,
    %get3A_111 = arith.constant 416 : index
    %get3A_112 = tpu.vector_load %arg5[%get3A_111] {strides = array<i32>} : memref<1024xi32, #tpu.memory_space<vmem>>, vector<16xi32>,
    %get3A_113 = arith.constant 432 : index
    %get3A_114 = tpu.vector_load %arg5[%get3A_113] {strides = array<i32>} : memref<1024xi32, #tpu.memory_space<vmem>>, vector<16xi32>,
    tpu.vector_store_idx %arg6[%get3A_112], %broadcast_in_dim3A_5 : memref<26000xf32, #tpu.memory_space<vmem>>[vector<16xi32>], vector<16xf32>,
    tpu.vector_store_idx %arg6[%get3A_114], %broadcast_in_dim3A_5 : memref<26000xf32, #tpu.memory_space<vmem>>[vector<16xi32>], vector<16xf32>,
    %mul3A_115 = arith.constant 32 : i32
    %mul3A_116 = arith.muli %add3A, %mul3A_115 : i32
    %add3A_117 = arith.constant 13 : i32
    %add3A_118 = arith.addi %mul3A_116, %add3A_117 : i32
    "tpu.region"() ({
      %run_scoped3A = tpu.sem_alloc : memref<!tpu.dma_semaphore, #tpu.memory_space<semaphore_mem>>
      %dma_start3A = arith.constant 0 : i32
      %dma_start3A_263 = tpu.memref_slice %arg4[%add3A_118, %dma_start3A] : memref<1024x26000xf32, #tpu.memory_space<hbm>> -> memref<1x26000xf32, #tpu.memory_space<hbm>>
      %dma_start3A_264 = tpu.memref_squeeze %dma_start3A_263 : memref<1x26000xf32, #tpu.memory_space<hbm>> -> memref<26000xf32, #tpu.memory_space<hbm>>
      %dma_start3A_265 = arith.constant 0 : i32
      %dma_start3A_266 = tpu.memref_slice %arg4[%add3A_118, %dma_start3A_265] : memref<1024x26000xf32, #tpu.memory_space<hbm>> -> memref<1x26000xf32, #tpu.memory_space<hbm>>
      %dma_start3A_267 = tpu.memref_squeeze %dma_start3A_266 : memref<1x26000xf32, #tpu.memory_space<hbm>> -> memref<26000xf32, #tpu.memory_space<hbm>>
      tpu.enqueue_dma source(%arg6 : memref<26000xf32, #tpu.memory_space<vmem>>) target(%dma_start3A_267 : memref<26000xf32, #tpu.memory_space<hbm>>) target_semaphore(%run_scoped3A : memref<!tpu.dma_semaphore, #tpu.memory_space<semaphore_mem>>)
      %dma_wait3A = arith.constant 0 : i32
      %dma_wait3A_268 = tpu.memref_slice %arg4[%add3A_118, %dma_wait3A] : memref<1024x26000xf32, #tpu.memory_space<hbm>> -> memref<1x26000xf32, #tpu.memory_space<hbm>>
      %dma_wait3A_269 = tpu.memref_squeeze %dma_wait3A_268 : memref<1x26000xf32, #tpu.memory_space<hbm>> -> memref<26000xf32, #tpu.memory_space<hbm>>
      %dma_wait3A_270 = arith.constant 0 : i32
      %dma_wait3A_271 = tpu.memref_slice %arg4[%add3A_118, %dma_wait3A_270] : memref<1024x26000xf32, #tpu.memory_space<hbm>> -> memref<1x26000xf32, #tpu.memory_space<hbm>>
      %dma_wait3A_272 = tpu.memref_squeeze %dma_wait3A_271 : memref<1x26000xf32, #tpu.memory_space<hbm>> -> memref<26000xf32, #tpu.memory_space<hbm>>
      tpu.wait_dma2 semaphore(%run_scoped3A : memref<!tpu.dma_semaphore, #tpu.memory_space<semaphore_mem>>) src(%arg6 : memref<26000xf32, #tpu.memory_space<vmem>>) dst(%dma_wait3A_272 : memref<26000xf32, #tpu.memory_space<hbm>>)
      tpu.yield
    }) : () -> ()
    tpu.vector_store_idx %arg6[%get3A_112], %broadcast_in_dim3A_7 : memref<26000xf32, #tpu.memory_space<vmem>>[vector<16xi32>], vector<16xf32>,
    tpu.vector_store_idx %arg6[%get3A_114], %broadcast_in_dim3A_7 : memref<26000xf32, #tpu.memory_space<vmem>>[vector<16xi32>], vector<16xf32>,
    %get3A_119 = arith.constant 448 : index
    %get3A_120 = tpu.vector_load %arg5[%get3A_119] {strides = array<i32>} : memref<1024xi32, #tpu.memory_space<vmem>>, vector<16xi32>,
    %get3A_121 = arith.constant 464 : index
    %get3A_122 = tpu.vector_load %arg5[%get3A_121] {strides = array<i32>} : memref<1024xi32, #tpu.memory_space<vmem>>, vector<16xi32>,
    tpu.vector_store_idx %arg6[%get3A_120], %broadcast_in_dim3A_5 : memref<26000xf32, #tpu.memory_space<vmem>>[vector<16xi32>], vector<16xf32>,
    tpu.vector_store_idx %arg6[%get3A_122], %broadcast_in_dim3A_5 : memref<26000xf32, #tpu.memory_space<vmem>>[vector<16xi32>], vector<16xf32>,
    %mul3A_123 = arith.constant 32 : i32
    %mul3A_124 = arith.muli %add3A, %mul3A_123 : i32
    %add3A_125 = arith.constant 14 : i32
    %add3A_126 = arith.addi %mul3A_124, %add3A_125 : i32
    "tpu.region"() ({
      %run_scoped3A = tpu.sem_alloc : memref<!tpu.dma_semaphore, #tpu.memory_space<semaphore_mem>>
      %dma_start3A = arith.constant 0 : i32
      %dma_start3A_263 = tpu.memref_slice %arg4[%add3A_126, %dma_start3A] : memref<1024x26000xf32, #tpu.memory_space<hbm>> -> memref<1x26000xf32, #tpu.memory_space<hbm>>
      %dma_start3A_264 = tpu.memref_squeeze %dma_start3A_263 : memref<1x26000xf32, #tpu.memory_space<hbm>> -> memref<26000xf32, #tpu.memory_space<hbm>>
      %dma_start3A_265 = arith.constant 0 : i32
      %dma_start3A_266 = tpu.memref_slice %arg4[%add3A_126, %dma_start3A_265] : memref<1024x26000xf32, #tpu.memory_space<hbm>> -> memref<1x26000xf32, #tpu.memory_space<hbm>>
      %dma_start3A_267 = tpu.memref_squeeze %dma_start3A_266 : memref<1x26000xf32, #tpu.memory_space<hbm>> -> memref<26000xf32, #tpu.memory_space<hbm>>
      tpu.enqueue_dma source(%arg6 : memref<26000xf32, #tpu.memory_space<vmem>>) target(%dma_start3A_267 : memref<26000xf32, #tpu.memory_space<hbm>>) target_semaphore(%run_scoped3A : memref<!tpu.dma_semaphore, #tpu.memory_space<semaphore_mem>>)
      %dma_wait3A = arith.constant 0 : i32
      %dma_wait3A_268 = tpu.memref_slice %arg4[%add3A_126, %dma_wait3A] : memref<1024x26000xf32, #tpu.memory_space<hbm>> -> memref<1x26000xf32, #tpu.memory_space<hbm>>
      %dma_wait3A_269 = tpu.memref_squeeze %dma_wait3A_268 : memref<1x26000xf32, #tpu.memory_space<hbm>> -> memref<26000xf32, #tpu.memory_space<hbm>>
      %dma_wait3A_270 = arith.constant 0 : i32
      %dma_wait3A_271 = tpu.memref_slice %arg4[%add3A_126, %dma_wait3A_270] : memref<1024x26000xf32, #tpu.memory_space<hbm>> -> memref<1x26000xf32, #tpu.memory_space<hbm>>
      %dma_wait3A_272 = tpu.memref_squeeze %dma_wait3A_271 : memref<1x26000xf32, #tpu.memory_space<hbm>> -> memref<26000xf32, #tpu.memory_space<hbm>>
      tpu.wait_dma2 semaphore(%run_scoped3A : memref<!tpu.dma_semaphore, #tpu.memory_space<semaphore_mem>>) src(%arg6 : memref<26000xf32, #tpu.memory_space<vmem>>) dst(%dma_wait3A_272 : memref<26000xf32, #tpu.memory_space<hbm>>)
      tpu.yield
    }) : () -> ()
    tpu.vector_store_idx %arg6[%get3A_120], %broadcast_in_dim3A_7 : memref<26000xf32, #tpu.memory_space<vmem>>[vector<16xi32>], vector<16xf32>,
    tpu.vector_store_idx %arg6[%get3A_122], %broadcast_in_dim3A_7 : memref<26000xf32, #tpu.memory_space<vmem>>[vector<16xi32>], vector<16xf32>,
    %get3A_127 = arith.constant 480 : index
    %get3A_128 = tpu.vector_load %arg5[%get3A_127] {strides = array<i32>} : memref<1024xi32, #tpu.memory_space<vmem>>, vector<16xi32>,
    %get3A_129 = arith.constant 496 : index
    %get3A_130 = tpu.vector_load %arg5[%get3A_129] {strides = array<i32>} : memref<1024xi32, #tpu.memory_space<vmem>>, vector<16xi32>,
    tpu.vector_store_idx %arg6[%get3A_128], %broadcast_in_dim3A_5 : memref<26000xf32, #tpu.memory_space<vmem>>[vector<16xi32>], vector<16xf32>,
    tpu.vector_store_idx %arg6[%get3A_130], %broadcast_in_dim3A_5 : memref<26000xf32, #tpu.memory_space<vmem>>[vector<16xi32>], vector<16xf32>,
    %mul3A_131 = arith.constant 32 : i32
    %mul3A_132 = arith.muli %add3A, %mul3A_131 : i32
    %add3A_133 = arith.constant 15 : i32
    %add3A_134 = arith.addi %mul3A_132, %add3A_133 : i32
    "tpu.region"() ({
      %run_scoped3A = tpu.sem_alloc : memref<!tpu.dma_semaphore, #tpu.memory_space<semaphore_mem>>
      %dma_start3A = arith.constant 0 : i32
      %dma_start3A_263 = tpu.memref_slice %arg4[%add3A_134, %dma_start3A] : memref<1024x26000xf32, #tpu.memory_space<hbm>> -> memref<1x26000xf32, #tpu.memory_space<hbm>>
      %dma_start3A_264 = tpu.memref_squeeze %dma_start3A_263 : memref<1x26000xf32, #tpu.memory_space<hbm>> -> memref<26000xf32, #tpu.memory_space<hbm>>
      %dma_start3A_265 = arith.constant 0 : i32
      %dma_start3A_266 = tpu.memref_slice %arg4[%add3A_134, %dma_start3A_265] : memref<1024x26000xf32, #tpu.memory_space<hbm>> -> memref<1x26000xf32, #tpu.memory_space<hbm>>
      %dma_start3A_267 = tpu.memref_squeeze %dma_start3A_266 : memref<1x26000xf32, #tpu.memory_space<hbm>> -> memref<26000xf32, #tpu.memory_space<hbm>>
      tpu.enqueue_dma source(%arg6 : memref<26000xf32, #tpu.memory_space<vmem>>) target(%dma_start3A_267 : memref<26000xf32, #tpu.memory_space<hbm>>) target_semaphore(%run_scoped3A : memref<!tpu.dma_semaphore, #tpu.memory_space<semaphore_mem>>)
      %dma_wait3A = arith.constant 0 : i32
      %dma_wait3A_268 = tpu.memref_slice %arg4[%add3A_134, %dma_wait3A] : memref<1024x26000xf32, #tpu.memory_space<hbm>> -> memref<1x26000xf32, #tpu.memory_space<hbm>>
      %dma_wait3A_269 = tpu.memref_squeeze %dma_wait3A_268 : memref<1x26000xf32, #tpu.memory_space<hbm>> -> memref<26000xf32, #tpu.memory_space<hbm>>
      %dma_wait3A_270 = arith.constant 0 : i32
      %dma_wait3A_271 = tpu.memref_slice %arg4[%add3A_134, %dma_wait3A_270] : memref<1024x26000xf32, #tpu.memory_space<hbm>> -> memref<1x26000xf32, #tpu.memory_space<hbm>>
      %dma_wait3A_272 = tpu.memref_squeeze %dma_wait3A_271 : memref<1x26000xf32, #tpu.memory_space<hbm>> -> memref<26000xf32, #tpu.memory_space<hbm>>
      tpu.wait_dma2 semaphore(%run_scoped3A : memref<!tpu.dma_semaphore, #tpu.memory_space<semaphore_mem>>) src(%arg6 : memref<26000xf32, #tpu.memory_space<vmem>>) dst(%dma_wait3A_272 : memref<26000xf32, #tpu.memory_space<hbm>>)
      tpu.yield
    }) : () -> ()
    tpu.vector_store_idx %arg6[%get3A_128], %broadcast_in_dim3A_7 : memref<26000xf32, #tpu.memory_space<vmem>>[vector<16xi32>], vector<16xf32>,
    tpu.vector_store_idx %arg6[%get3A_130], %broadcast_in_dim3A_7 : memref<26000xf32, #tpu.memory_space<vmem>>[vector<16xi32>], vector<16xf32>,
    %get3A_135 = arith.constant 512 : index
    %get3A_136 = tpu.vector_load %arg5[%get3A_135] {strides = array<i32>} : memref<1024xi32, #tpu.memory_space<vmem>>, vector<16xi32>,
    %get3A_137 = arith.constant 528 : index
    %get3A_138 = tpu.vector_load %arg5[%get3A_137] {strides = array<i32>} : memref<1024xi32, #tpu.memory_space<vmem>>, vector<16xi32>,
    tpu.vector_store_idx %arg6[%get3A_136], %broadcast_in_dim3A_5 : memref<26000xf32, #tpu.memory_space<vmem>>[vector<16xi32>], vector<16xf32>,
    tpu.vector_store_idx %arg6[%get3A_138], %broadcast_in_dim3A_5 : memref<26000xf32, #tpu.memory_space<vmem>>[vector<16xi32>], vector<16xf32>,
    %mul3A_139 = arith.constant 32 : i32
    %mul3A_140 = arith.muli %add3A, %mul3A_139 : i32
    %add3A_141 = arith.constant 16 : i32
    %add3A_142 = arith.addi %mul3A_140, %add3A_141 : i32
    "tpu.region"() ({
      %run_scoped3A = tpu.sem_alloc : memref<!tpu.dma_semaphore, #tpu.memory_space<semaphore_mem>>
      %dma_start3A = arith.constant 0 : i32
      %dma_start3A_263 = tpu.memref_slice %arg4[%add3A_142, %dma_start3A] : memref<1024x26000xf32, #tpu.memory_space<hbm>> -> memref<1x26000xf32, #tpu.memory_space<hbm>>
      %dma_start3A_264 = tpu.memref_squeeze %dma_start3A_263 : memref<1x26000xf32, #tpu.memory_space<hbm>> -> memref<26000xf32, #tpu.memory_space<hbm>>
      %dma_start3A_265 = arith.constant 0 : i32
      %dma_start3A_266 = tpu.memref_slice %arg4[%add3A_142, %dma_start3A_265] : memref<1024x26000xf32, #tpu.memory_space<hbm>> -> memref<1x26000xf32, #tpu.memory_space<hbm>>
      %dma_start3A_267 = tpu.memref_squeeze %dma_start3A_266 : memref<1x26000xf32, #tpu.memory_space<hbm>> -> memref<26000xf32, #tpu.memory_space<hbm>>
      tpu.enqueue_dma source(%arg6 : memref<26000xf32, #tpu.memory_space<vmem>>) target(%dma_start3A_267 : memref<26000xf32, #tpu.memory_space<hbm>>) target_semaphore(%run_scoped3A : memref<!tpu.dma_semaphore, #tpu.memory_space<semaphore_mem>>)
      %dma_wait3A = arith.constant 0 : i32
      %dma_wait3A_268 = tpu.memref_slice %arg4[%add3A_142, %dma_wait3A] : memref<1024x26000xf32, #tpu.memory_space<hbm>> -> memref<1x26000xf32, #tpu.memory_space<hbm>>
      %dma_wait3A_269 = tpu.memref_squeeze %dma_wait3A_268 : memref<1x26000xf32, #tpu.memory_space<hbm>> -> memref<26000xf32, #tpu.memory_space<hbm>>
      %dma_wait3A_270 = arith.constant 0 : i32
      %dma_wait3A_271 = tpu.memref_slice %arg4[%add3A_142, %dma_wait3A_270] : memref<1024x26000xf32, #tpu.memory_space<hbm>> -> memref<1x26000xf32, #tpu.memory_space<hbm>>
      %dma_wait3A_272 = tpu.memref_squeeze %dma_wait3A_271 : memref<1x26000xf32, #tpu.memory_space<hbm>> -> memref<26000xf32, #tpu.memory_space<hbm>>
      tpu.wait_dma2 semaphore(%run_scoped3A : memref<!tpu.dma_semaphore, #tpu.memory_space<semaphore_mem>>) src(%arg6 : memref<26000xf32, #tpu.memory_space<vmem>>) dst(%dma_wait3A_272 : memref<26000xf32, #tpu.memory_space<hbm>>)
      tpu.yield
    }) : () -> ()
    tpu.vector_store_idx %arg6[%get3A_136], %broadcast_in_dim3A_7 : memref<26000xf32, #tpu.memory_space<vmem>>[vector<16xi32>], vector<16xf32>,
    tpu.vector_store_idx %arg6[%get3A_138], %broadcast_in_dim3A_7 : memref<26000xf32, #tpu.memory_space<vmem>>[vector<16xi32>], vector<16xf32>,
    %get3A_143 = arith.constant 544 : index
    %get3A_144 = tpu.vector_load %arg5[%get3A_143] {strides = array<i32>} : memref<1024xi32, #tpu.memory_space<vmem>>, vector<16xi32>,
    %get3A_145 = arith.constant 560 : index
    %get3A_146 = tpu.vector_load %arg5[%get3A_145] {strides = array<i32>} : memref<1024xi32, #tpu.memory_space<vmem>>, vector<16xi32>,
    tpu.vector_store_idx %arg6[%get3A_144], %broadcast_in_dim3A_5 : memref<26000xf32, #tpu.memory_space<vmem>>[vector<16xi32>], vector<16xf32>,
    tpu.vector_store_idx %arg6[%get3A_146], %broadcast_in_dim3A_5 : memref<26000xf32, #tpu.memory_space<vmem>>[vector<16xi32>], vector<16xf32>,
    %mul3A_147 = arith.constant 32 : i32
    %mul3A_148 = arith.muli %add3A, %mul3A_147 : i32
    %add3A_149 = arith.constant 17 : i32
    %add3A_150 = arith.addi %mul3A_148, %add3A_149 : i32
    "tpu.region"() ({
      %run_scoped3A = tpu.sem_alloc : memref<!tpu.dma_semaphore, #tpu.memory_space<semaphore_mem>>
      %dma_start3A = arith.constant 0 : i32
      %dma_start3A_263 = tpu.memref_slice %arg4[%add3A_150, %dma_start3A] : memref<1024x26000xf32, #tpu.memory_space<hbm>> -> memref<1x26000xf32, #tpu.memory_space<hbm>>
      %dma_start3A_264 = tpu.memref_squeeze %dma_start3A_263 : memref<1x26000xf32, #tpu.memory_space<hbm>> -> memref<26000xf32, #tpu.memory_space<hbm>>
      %dma_start3A_265 = arith.constant 0 : i32
      %dma_start3A_266 = tpu.memref_slice %arg4[%add3A_150, %dma_start3A_265] : memref<1024x26000xf32, #tpu.memory_space<hbm>> -> memref<1x26000xf32, #tpu.memory_space<hbm>>
      %dma_start3A_267 = tpu.memref_squeeze %dma_start3A_266 : memref<1x26000xf32, #tpu.memory_space<hbm>> -> memref<26000xf32, #tpu.memory_space<hbm>>
      tpu.enqueue_dma source(%arg6 : memref<26000xf32, #tpu.memory_space<vmem>>) target(%dma_start3A_267 : memref<26000xf32, #tpu.memory_space<hbm>>) target_semaphore(%run_scoped3A : memref<!tpu.dma_semaphore, #tpu.memory_space<semaphore_mem>>)
      %dma_wait3A = arith.constant 0 : i32
      %dma_wait3A_268 = tpu.memref_slice %arg4[%add3A_150, %dma_wait3A] : memref<1024x26000xf32, #tpu.memory_space<hbm>> -> memref<1x26000xf32, #tpu.memory_space<hbm>>
      %dma_wait3A_269 = tpu.memref_squeeze %dma_wait3A_268 : memref<1x26000xf32, #tpu.memory_space<hbm>> -> memref<26000xf32, #tpu.memory_space<hbm>>
      %dma_wait3A_270 = arith.constant 0 : i32
      %dma_wait3A_271 = tpu.memref_slice %arg4[%add3A_150, %dma_wait3A_270] : memref<1024x26000xf32, #tpu.memory_space<hbm>> -> memref<1x26000xf32, #tpu.memory_space<hbm>>
      %dma_wait3A_272 = tpu.memref_squeeze %dma_wait3A_271 : memref<1x26000xf32, #tpu.memory_space<hbm>> -> memref<26000xf32, #tpu.memory_space<hbm>>
      tpu.wait_dma2 semaphore(%run_scoped3A : memref<!tpu.dma_semaphore, #tpu.memory_space<semaphore_mem>>) src(%arg6 : memref<26000xf32, #tpu.memory_space<vmem>>) dst(%dma_wait3A_272 : memref<26000xf32, #tpu.memory_space<hbm>>)
      tpu.yield
    }) : () -> ()
    tpu.vector_store_idx %arg6[%get3A_144], %broadcast_in_dim3A_7 : memref<26000xf32, #tpu.memory_space<vmem>>[vector<16xi32>], vector<16xf32>,
    tpu.vector_store_idx %arg6[%get3A_146], %broadcast_in_dim3A_7 : memref<26000xf32, #tpu.memory_space<vmem>>[vector<16xi32>], vector<16xf32>,
    %get3A_151 = arith.constant 576 : index
    %get3A_152 = tpu.vector_load %arg5[%get3A_151] {strides = array<i32>} : memref<1024xi32, #tpu.memory_space<vmem>>, vector<16xi32>,
    %get3A_153 = arith.constant 592 : index
    %get3A_154 = tpu.vector_load %arg5[%get3A_153] {strides = array<i32>} : memref<1024xi32, #tpu.memory_space<vmem>>, vector<16xi32>,
    tpu.vector_store_idx %arg6[%get3A_152], %broadcast_in_dim3A_5 : memref<26000xf32, #tpu.memory_space<vmem>>[vector<16xi32>], vector<16xf32>,
    tpu.vector_store_idx %arg6[%get3A_154], %broadcast_in_dim3A_5 : memref<26000xf32, #tpu.memory_space<vmem>>[vector<16xi32>], vector<16xf32>,
    %mul3A_155 = arith.constant 32 : i32
    %mul3A_156 = arith.muli %add3A, %mul3A_155 : i32
    %add3A_157 = arith.constant 18 : i32
    %add3A_158 = arith.addi %mul3A_156, %add3A_157 : i32
    "tpu.region"() ({
      %run_scoped3A = tpu.sem_alloc : memref<!tpu.dma_semaphore, #tpu.memory_space<semaphore_mem>>
      %dma_start3A = arith.constant 0 : i32
      %dma_start3A_263 = tpu.memref_slice %arg4[%add3A_158, %dma_start3A] : memref<1024x26000xf32, #tpu.memory_space<hbm>> -> memref<1x26000xf32, #tpu.memory_space<hbm>>
      %dma_start3A_264 = tpu.memref_squeeze %dma_start3A_263 : memref<1x26000xf32, #tpu.memory_space<hbm>> -> memref<26000xf32, #tpu.memory_space<hbm>>
      %dma_start3A_265 = arith.constant 0 : i32
      %dma_start3A_266 = tpu.memref_slice %arg4[%add3A_158, %dma_start3A_265] : memref<1024x26000xf32, #tpu.memory_space<hbm>> -> memref<1x26000xf32, #tpu.memory_space<hbm>>
      %dma_start3A_267 = tpu.memref_squeeze %dma_start3A_266 : memref<1x26000xf32, #tpu.memory_space<hbm>> -> memref<26000xf32, #tpu.memory_space<hbm>>
      tpu.enqueue_dma source(%arg6 : memref<26000xf32, #tpu.memory_space<vmem>>) target(%dma_start3A_267 : memref<26000xf32, #tpu.memory_space<hbm>>) target_semaphore(%run_scoped3A : memref<!tpu.dma_semaphore, #tpu.memory_space<semaphore_mem>>)
      %dma_wait3A = arith.constant 0 : i32
      %dma_wait3A_268 = tpu.memref_slice %arg4[%add3A_158, %dma_wait3A] : memref<1024x26000xf32, #tpu.memory_space<hbm>> -> memref<1x26000xf32, #tpu.memory_space<hbm>>
      %dma_wait3A_269 = tpu.memref_squeeze %dma_wait3A_268 : memref<1x26000xf32, #tpu.memory_space<hbm>> -> memref<26000xf32, #tpu.memory_space<hbm>>
      %dma_wait3A_270 = arith.constant 0 : i32
      %dma_wait3A_271 = tpu.memref_slice %arg4[%add3A_158, %dma_wait3A_270] : memref<1024x26000xf32, #tpu.memory_space<hbm>> -> memref<1x26000xf32, #tpu.memory_space<hbm>>
      %dma_wait3A_272 = tpu.memref_squeeze %dma_wait3A_271 : memref<1x26000xf32, #tpu.memory_space<hbm>> -> memref<26000xf32, #tpu.memory_space<hbm>>
      tpu.wait_dma2 semaphore(%run_scoped3A : memref<!tpu.dma_semaphore, #tpu.memory_space<semaphore_mem>>) src(%arg6 : memref<26000xf32, #tpu.memory_space<vmem>>) dst(%dma_wait3A_272 : memref<26000xf32, #tpu.memory_space<hbm>>)
      tpu.yield
    }) : () -> ()
    tpu.vector_store_idx %arg6[%get3A_152], %broadcast_in_dim3A_7 : memref<26000xf32, #tpu.memory_space<vmem>>[vector<16xi32>], vector<16xf32>,
    tpu.vector_store_idx %arg6[%get3A_154], %broadcast_in_dim3A_7 : memref<26000xf32, #tpu.memory_space<vmem>>[vector<16xi32>], vector<16xf32>,
    %get3A_159 = arith.constant 608 : index
    %get3A_160 = tpu.vector_load %arg5[%get3A_159] {strides = array<i32>} : memref<1024xi32, #tpu.memory_space<vmem>>, vector<16xi32>,
    %get3A_161 = arith.constant 624 : index
    %get3A_162 = tpu.vector_load %arg5[%get3A_161] {strides = array<i32>} : memref<1024xi32, #tpu.memory_space<vmem>>, vector<16xi32>,
    tpu.vector_store_idx %arg6[%get3A_160], %broadcast_in_dim3A_5 : memref<26000xf32, #tpu.memory_space<vmem>>[vector<16xi32>], vector<16xf32>,
    tpu.vector_store_idx %arg6[%get3A_162], %broadcast_in_dim3A_5 : memref<26000xf32, #tpu.memory_space<vmem>>[vector<16xi32>], vector<16xf32>,
    %mul3A_163 = arith.constant 32 : i32
    %mul3A_164 = arith.muli %add3A, %mul3A_163 : i32
    %add3A_165 = arith.constant 19 : i32
    %add3A_166 = arith.addi %mul3A_164, %add3A_165 : i32
    "tpu.region"() ({
      %run_scoped3A = tpu.sem_alloc : memref<!tpu.dma_semaphore, #tpu.memory_space<semaphore_mem>>
      %dma_start3A = arith.constant 0 : i32
      %dma_start3A_263 = tpu.memref_slice %arg4[%add3A_166, %dma_start3A] : memref<1024x26000xf32, #tpu.memory_space<hbm>> -> memref<1x26000xf32, #tpu.memory_space<hbm>>
      %dma_start3A_264 = tpu.memref_squeeze %dma_start3A_263 : memref<1x26000xf32, #tpu.memory_space<hbm>> -> memref<26000xf32, #tpu.memory_space<hbm>>
      %dma_start3A_265 = arith.constant 0 : i32
      %dma_start3A_266 = tpu.memref_slice %arg4[%add3A_166, %dma_start3A_265] : memref<1024x26000xf32, #tpu.memory_space<hbm>> -> memref<1x26000xf32, #tpu.memory_space<hbm>>
      %dma_start3A_267 = tpu.memref_squeeze %dma_start3A_266 : memref<1x26000xf32, #tpu.memory_space<hbm>> -> memref<26000xf32, #tpu.memory_space<hbm>>
      tpu.enqueue_dma source(%arg6 : memref<26000xf32, #tpu.memory_space<vmem>>) target(%dma_start3A_267 : memref<26000xf32, #tpu.memory_space<hbm>>) target_semaphore(%run_scoped3A : memref<!tpu.dma_semaphore, #tpu.memory_space<semaphore_mem>>)
      %dma_wait3A = arith.constant 0 : i32
      %dma_wait3A_268 = tpu.memref_slice %arg4[%add3A_166, %dma_wait3A] : memref<1024x26000xf32, #tpu.memory_space<hbm>> -> memref<1x26000xf32, #tpu.memory_space<hbm>>
      %dma_wait3A_269 = tpu.memref_squeeze %dma_wait3A_268 : memref<1x26000xf32, #tpu.memory_space<hbm>> -> memref<26000xf32, #tpu.memory_space<hbm>>
      %dma_wait3A_270 = arith.constant 0 : i32
      %dma_wait3A_271 = tpu.memref_slice %arg4[%add3A_166, %dma_wait3A_270] : memref<1024x26000xf32, #tpu.memory_space<hbm>> -> memref<1x26000xf32, #tpu.memory_space<hbm>>
      %dma_wait3A_272 = tpu.memref_squeeze %dma_wait3A_271 : memref<1x26000xf32, #tpu.memory_space<hbm>> -> memref<26000xf32, #tpu.memory_space<hbm>>
      tpu.wait_dma2 semaphore(%run_scoped3A : memref<!tpu.dma_semaphore, #tpu.memory_space<semaphore_mem>>) src(%arg6 : memref<26000xf32, #tpu.memory_space<vmem>>) dst(%dma_wait3A_272 : memref<26000xf32, #tpu.memory_space<hbm>>)
      tpu.yield
    }) : () -> ()
    tpu.vector_store_idx %arg6[%get3A_160], %broadcast_in_dim3A_7 : memref<26000xf32, #tpu.memory_space<vmem>>[vector<16xi32>], vector<16xf32>,
    tpu.vector_store_idx %arg6[%get3A_162], %broadcast_in_dim3A_7 : memref<26000xf32, #tpu.memory_space<vmem>>[vector<16xi32>], vector<16xf32>,
    %get3A_167 = arith.constant 640 : index
    %get3A_168 = tpu.vector_load %arg5[%get3A_167] {strides = array<i32>} : memref<1024xi32, #tpu.memory_space<vmem>>, vector<16xi32>,
    %get3A_169 = arith.constant 656 : index
    %get3A_170 = tpu.vector_load %arg5[%get3A_169] {strides = array<i32>} : memref<1024xi32, #tpu.memory_space<vmem>>, vector<16xi32>,
    tpu.vector_store_idx %arg6[%get3A_168], %broadcast_in_dim3A_5 : memref<26000xf32, #tpu.memory_space<vmem>>[vector<16xi32>], vector<16xf32>,
    tpu.vector_store_idx %arg6[%get3A_170], %broadcast_in_dim3A_5 : memref<26000xf32, #tpu.memory_space<vmem>>[vector<16xi32>], vector<16xf32>,
    %mul3A_171 = arith.constant 32 : i32
    %mul3A_172 = arith.muli %add3A, %mul3A_171 : i32
    %add3A_173 = arith.constant 20 : i32
    %add3A_174 = arith.addi %mul3A_172, %add3A_173 : i32
    "tpu.region"() ({
      %run_scoped3A = tpu.sem_alloc : memref<!tpu.dma_semaphore, #tpu.memory_space<semaphore_mem>>
      %dma_start3A = arith.constant 0 : i32
      %dma_start3A_263 = tpu.memref_slice %arg4[%add3A_174, %dma_start3A] : memref<1024x26000xf32, #tpu.memory_space<hbm>> -> memref<1x26000xf32, #tpu.memory_space<hbm>>
      %dma_start3A_264 = tpu.memref_squeeze %dma_start3A_263 : memref<1x26000xf32, #tpu.memory_space<hbm>> -> memref<26000xf32, #tpu.memory_space<hbm>>
      %dma_start3A_265 = arith.constant 0 : i32
      %dma_start3A_266 = tpu.memref_slice %arg4[%add3A_174, %dma_start3A_265] : memref<1024x26000xf32, #tpu.memory_space<hbm>> -> memref<1x26000xf32, #tpu.memory_space<hbm>>
      %dma_start3A_267 = tpu.memref_squeeze %dma_start3A_266 : memref<1x26000xf32, #tpu.memory_space<hbm>> -> memref<26000xf32, #tpu.memory_space<hbm>>
      tpu.enqueue_dma source(%arg6 : memref<26000xf32, #tpu.memory_space<vmem>>) target(%dma_start3A_267 : memref<26000xf32, #tpu.memory_space<hbm>>) target_semaphore(%run_scoped3A : memref<!tpu.dma_semaphore, #tpu.memory_space<semaphore_mem>>)
      %dma_wait3A = arith.constant 0 : i32
      %dma_wait3A_268 = tpu.memref_slice %arg4[%add3A_174, %dma_wait3A] : memref<1024x26000xf32, #tpu.memory_space<hbm>> -> memref<1x26000xf32, #tpu.memory_space<hbm>>
      %dma_wait3A_269 = tpu.memref_squeeze %dma_wait3A_268 : memref<1x26000xf32, #tpu.memory_space<hbm>> -> memref<26000xf32, #tpu.memory_space<hbm>>
      %dma_wait3A_270 = arith.constant 0 : i32
      %dma_wait3A_271 = tpu.memref_slice %arg4[%add3A_174, %dma_wait3A_270] : memref<1024x26000xf32, #tpu.memory_space<hbm>> -> memref<1x26000xf32, #tpu.memory_space<hbm>>
      %dma_wait3A_272 = tpu.memref_squeeze %dma_wait3A_271 : memref<1x26000xf32, #tpu.memory_space<hbm>> -> memref<26000xf32, #tpu.memory_space<hbm>>
      tpu.wait_dma2 semaphore(%run_scoped3A : memref<!tpu.dma_semaphore, #tpu.memory_space<semaphore_mem>>) src(%arg6 : memref<26000xf32, #tpu.memory_space<vmem>>) dst(%dma_wait3A_272 : memref<26000xf32, #tpu.memory_space<hbm>>)
      tpu.yield
    }) : () -> ()
    tpu.vector_store_idx %arg6[%get3A_168], %broadcast_in_dim3A_7 : memref<26000xf32, #tpu.memory_space<vmem>>[vector<16xi32>], vector<16xf32>,
    tpu.vector_store_idx %arg6[%get3A_170], %broadcast_in_dim3A_7 : memref<26000xf32, #tpu.memory_space<vmem>>[vector<16xi32>], vector<16xf32>,
    %get3A_175 = arith.constant 672 : index
    %get3A_176 = tpu.vector_load %arg5[%get3A_175] {strides = array<i32>} : memref<1024xi32, #tpu.memory_space<vmem>>, vector<16xi32>,
    %get3A_177 = arith.constant 688 : index
    %get3A_178 = tpu.vector_load %arg5[%get3A_177] {strides = array<i32>} : memref<1024xi32, #tpu.memory_space<vmem>>, vector<16xi32>,
    tpu.vector_store_idx %arg6[%get3A_176], %broadcast_in_dim3A_5 : memref<26000xf32, #tpu.memory_space<vmem>>[vector<16xi32>], vector<16xf32>,
    tpu.vector_store_idx %arg6[%get3A_178], %broadcast_in_dim3A_5 : memref<26000xf32, #tpu.memory_space<vmem>>[vector<16xi32>], vector<16xf32>,
    %mul3A_179 = arith.constant 32 : i32
    %mul3A_180 = arith.muli %add3A, %mul3A_179 : i32
    %add3A_181 = arith.constant 21 : i32
    %add3A_182 = arith.addi %mul3A_180, %add3A_181 : i32
    "tpu.region"() ({
      %run_scoped3A = tpu.sem_alloc : memref<!tpu.dma_semaphore, #tpu.memory_space<semaphore_mem>>
      %dma_start3A = arith.constant 0 : i32
      %dma_start3A_263 = tpu.memref_slice %arg4[%add3A_182, %dma_start3A] : memref<1024x26000xf32, #tpu.memory_space<hbm>> -> memref<1x26000xf32, #tpu.memory_space<hbm>>
      %dma_start3A_264 = tpu.memref_squeeze %dma_start3A_263 : memref<1x26000xf32, #tpu.memory_space<hbm>> -> memref<26000xf32, #tpu.memory_space<hbm>>
      %dma_start3A_265 = arith.constant 0 : i32
      %dma_start3A_266 = tpu.memref_slice %arg4[%add3A_182, %dma_start3A_265] : memref<1024x26000xf32, #tpu.memory_space<hbm>> -> memref<1x26000xf32, #tpu.memory_space<hbm>>
      %dma_start3A_267 = tpu.memref_squeeze %dma_start3A_266 : memref<1x26000xf32, #tpu.memory_space<hbm>> -> memref<26000xf32, #tpu.memory_space<hbm>>
      tpu.enqueue_dma source(%arg6 : memref<26000xf32, #tpu.memory_space<vmem>>) target(%dma_start3A_267 : memref<26000xf32, #tpu.memory_space<hbm>>) target_semaphore(%run_scoped3A : memref<!tpu.dma_semaphore, #tpu.memory_space<semaphore_mem>>)
      %dma_wait3A = arith.constant 0 : i32
      %dma_wait3A_268 = tpu.memref_slice %arg4[%add3A_182, %dma_wait3A] : memref<1024x26000xf32, #tpu.memory_space<hbm>> -> memref<1x26000xf32, #tpu.memory_space<hbm>>
      %dma_wait3A_269 = tpu.memref_squeeze %dma_wait3A_268 : memref<1x26000xf32, #tpu.memory_space<hbm>> -> memref<26000xf32, #tpu.memory_space<hbm>>
      %dma_wait3A_270 = arith.constant 0 : i32
      %dma_wait3A_271 = tpu.memref_slice %arg4[%add3A_182, %dma_wait3A_270] : memref<1024x26000xf32, #tpu.memory_space<hbm>> -> memref<1x26000xf32, #tpu.memory_space<hbm>>
      %dma_wait3A_272 = tpu.memref_squeeze %dma_wait3A_271 : memref<1x26000xf32, #tpu.memory_space<hbm>> -> memref<26000xf32, #tpu.memory_space<hbm>>
      tpu.wait_dma2 semaphore(%run_scoped3A : memref<!tpu.dma_semaphore, #tpu.memory_space<semaphore_mem>>) src(%arg6 : memref<26000xf32, #tpu.memory_space<vmem>>) dst(%dma_wait3A_272 : memref<26000xf32, #tpu.memory_space<hbm>>)
      tpu.yield
    }) : () -> ()
    tpu.vector_store_idx %arg6[%get3A_176], %broadcast_in_dim3A_7 : memref<26000xf32, #tpu.memory_space<vmem>>[vector<16xi32>], vector<16xf32>,
    tpu.vector_store_idx %arg6[%get3A_178], %broadcast_in_dim3A_7 : memref<26000xf32, #tpu.memory_space<vmem>>[vector<16xi32>], vector<16xf32>,
    %get3A_183 = arith.constant 704 : index
    %get3A_184 = tpu.vector_load %arg5[%get3A_183] {strides = array<i32>} : memref<1024xi32, #tpu.memory_space<vmem>>, vector<16xi32>,
    %get3A_185 = arith.constant 720 : index
    %get3A_186 = tpu.vector_load %arg5[%get3A_185] {strides = array<i32>} : memref<1024xi32, #tpu.memory_space<vmem>>, vector<16xi32>,
    tpu.vector_store_idx %arg6[%get3A_184], %broadcast_in_dim3A_5 : memref<26000xf32, #tpu.memory_space<vmem>>[vector<16xi32>], vector<16xf32>,
    tpu.vector_store_idx %arg6[%get3A_186], %broadcast_in_dim3A_5 : memref<26000xf32, #tpu.memory_space<vmem>>[vector<16xi32>], vector<16xf32>,
    %mul3A_187 = arith.constant 32 : i32
    %mul3A_188 = arith.muli %add3A, %mul3A_187 : i32
    %add3A_189 = arith.constant 22 : i32
    %add3A_190 = arith.addi %mul3A_188, %add3A_189 : i32
    "tpu.region"() ({
      %run_scoped3A = tpu.sem_alloc : memref<!tpu.dma_semaphore, #tpu.memory_space<semaphore_mem>>
      %dma_start3A = arith.constant 0 : i32
      %dma_start3A_263 = tpu.memref_slice %arg4[%add3A_190, %dma_start3A] : memref<1024x26000xf32, #tpu.memory_space<hbm>> -> memref<1x26000xf32, #tpu.memory_space<hbm>>
      %dma_start3A_264 = tpu.memref_squeeze %dma_start3A_263 : memref<1x26000xf32, #tpu.memory_space<hbm>> -> memref<26000xf32, #tpu.memory_space<hbm>>
      %dma_start3A_265 = arith.constant 0 : i32
      %dma_start3A_266 = tpu.memref_slice %arg4[%add3A_190, %dma_start3A_265] : memref<1024x26000xf32, #tpu.memory_space<hbm>> -> memref<1x26000xf32, #tpu.memory_space<hbm>>
      %dma_start3A_267 = tpu.memref_squeeze %dma_start3A_266 : memref<1x26000xf32, #tpu.memory_space<hbm>> -> memref<26000xf32, #tpu.memory_space<hbm>>
      tpu.enqueue_dma source(%arg6 : memref<26000xf32, #tpu.memory_space<vmem>>) target(%dma_start3A_267 : memref<26000xf32, #tpu.memory_space<hbm>>) target_semaphore(%run_scoped3A : memref<!tpu.dma_semaphore, #tpu.memory_space<semaphore_mem>>)
      %dma_wait3A = arith.constant 0 : i32
      %dma_wait3A_268 = tpu.memref_slice %arg4[%add3A_190, %dma_wait3A] : memref<1024x26000xf32, #tpu.memory_space<hbm>> -> memref<1x26000xf32, #tpu.memory_space<hbm>>
      %dma_wait3A_269 = tpu.memref_squeeze %dma_wait3A_268 : memref<1x26000xf32, #tpu.memory_space<hbm>> -> memref<26000xf32, #tpu.memory_space<hbm>>
      %dma_wait3A_270 = arith.constant 0 : i32
      %dma_wait3A_271 = tpu.memref_slice %arg4[%add3A_190, %dma_wait3A_270] : memref<1024x26000xf32, #tpu.memory_space<hbm>> -> memref<1x26000xf32, #tpu.memory_space<hbm>>
      %dma_wait3A_272 = tpu.memref_squeeze %dma_wait3A_271 : memref<1x26000xf32, #tpu.memory_space<hbm>> -> memref<26000xf32, #tpu.memory_space<hbm>>
      tpu.wait_dma2 semaphore(%run_scoped3A : memref<!tpu.dma_semaphore, #tpu.memory_space<semaphore_mem>>) src(%arg6 : memref<26000xf32, #tpu.memory_space<vmem>>) dst(%dma_wait3A_272 : memref<26000xf32, #tpu.memory_space<hbm>>)
      tpu.yield
    }) : () -> ()
    tpu.vector_store_idx %arg6[%get3A_184], %broadcast_in_dim3A_7 : memref<26000xf32, #tpu.memory_space<vmem>>[vector<16xi32>], vector<16xf32>,
    tpu.vector_store_idx %arg6[%get3A_186], %broadcast_in_dim3A_7 : memref<26000xf32, #tpu.memory_space<vmem>>[vector<16xi32>], vector<16xf32>,
    %get3A_191 = arith.constant 736 : index
    %get3A_192 = tpu.vector_load %arg5[%get3A_191] {strides = array<i32>} : memref<1024xi32, #tpu.memory_space<vmem>>, vector<16xi32>,
    %get3A_193 = arith.constant 752 : index
    %get3A_194 = tpu.vector_load %arg5[%get3A_193] {strides = array<i32>} : memref<1024xi32, #tpu.memory_space<vmem>>, vector<16xi32>,
    tpu.vector_store_idx %arg6[%get3A_192], %broadcast_in_dim3A_5 : memref<26000xf32, #tpu.memory_space<vmem>>[vector<16xi32>], vector<16xf32>,
    tpu.vector_store_idx %arg6[%get3A_194], %broadcast_in_dim3A_5 : memref<26000xf32, #tpu.memory_space<vmem>>[vector<16xi32>], vector<16xf32>,
    %mul3A_195 = arith.constant 32 : i32
    %mul3A_196 = arith.muli %add3A, %mul3A_195 : i32
    %add3A_197 = arith.constant 23 : i32
    %add3A_198 = arith.addi %mul3A_196, %add3A_197 : i32
    "tpu.region"() ({
      %run_scoped3A = tpu.sem_alloc : memref<!tpu.dma_semaphore, #tpu.memory_space<semaphore_mem>>
      %dma_start3A = arith.constant 0 : i32
      %dma_start3A_263 = tpu.memref_slice %arg4[%add3A_198, %dma_start3A] : memref<1024x26000xf32, #tpu.memory_space<hbm>> -> memref<1x26000xf32, #tpu.memory_space<hbm>>
      %dma_start3A_264 = tpu.memref_squeeze %dma_start3A_263 : memref<1x26000xf32, #tpu.memory_space<hbm>> -> memref<26000xf32, #tpu.memory_space<hbm>>
      %dma_start3A_265 = arith.constant 0 : i32
      %dma_start3A_266 = tpu.memref_slice %arg4[%add3A_198, %dma_start3A_265] : memref<1024x26000xf32, #tpu.memory_space<hbm>> -> memref<1x26000xf32, #tpu.memory_space<hbm>>
      %dma_start3A_267 = tpu.memref_squeeze %dma_start3A_266 : memref<1x26000xf32, #tpu.memory_space<hbm>> -> memref<26000xf32, #tpu.memory_space<hbm>>
      tpu.enqueue_dma source(%arg6 : memref<26000xf32, #tpu.memory_space<vmem>>) target(%dma_start3A_267 : memref<26000xf32, #tpu.memory_space<hbm>>) target_semaphore(%run_scoped3A : memref<!tpu.dma_semaphore, #tpu.memory_space<semaphore_mem>>)
      %dma_wait3A = arith.constant 0 : i32
      %dma_wait3A_268 = tpu.memref_slice %arg4[%add3A_198, %dma_wait3A] : memref<1024x26000xf32, #tpu.memory_space<hbm>> -> memref<1x26000xf32, #tpu.memory_space<hbm>>
      %dma_wait3A_269 = tpu.memref_squeeze %dma_wait3A_268 : memref<1x26000xf32, #tpu.memory_space<hbm>> -> memref<26000xf32, #tpu.memory_space<hbm>>
      %dma_wait3A_270 = arith.constant 0 : i32
      %dma_wait3A_271 = tpu.memref_slice %arg4[%add3A_198, %dma_wait3A_270] : memref<1024x26000xf32, #tpu.memory_space<hbm>> -> memref<1x26000xf32, #tpu.memory_space<hbm>>
      %dma_wait3A_272 = tpu.memref_squeeze %dma_wait3A_271 : memref<1x26000xf32, #tpu.memory_space<hbm>> -> memref<26000xf32, #tpu.memory_space<hbm>>
      tpu.wait_dma2 semaphore(%run_scoped3A : memref<!tpu.dma_semaphore, #tpu.memory_space<semaphore_mem>>) src(%arg6 : memref<26000xf32, #tpu.memory_space<vmem>>) dst(%dma_wait3A_272 : memref<26000xf32, #tpu.memory_space<hbm>>)
      tpu.yield
    }) : () -> ()
    tpu.vector_store_idx %arg6[%get3A_192], %broadcast_in_dim3A_7 : memref<26000xf32, #tpu.memory_space<vmem>>[vector<16xi32>], vector<16xf32>,
    tpu.vector_store_idx %arg6[%get3A_194], %broadcast_in_dim3A_7 : memref<26000xf32, #tpu.memory_space<vmem>>[vector<16xi32>], vector<16xf32>,
    %get3A_199 = arith.constant 768 : index
    %get3A_200 = tpu.vector_load %arg5[%get3A_199] {strides = array<i32>} : memref<1024xi32, #tpu.memory_space<vmem>>, vector<16xi32>,
    %get3A_201 = arith.constant 784 : index
    %get3A_202 = tpu.vector_load %arg5[%get3A_201] {strides = array<i32>} : memref<1024xi32, #tpu.memory_space<vmem>>, vector<16xi32>,
    tpu.vector_store_idx %arg6[%get3A_200], %broadcast_in_dim3A_5 : memref<26000xf32, #tpu.memory_space<vmem>>[vector<16xi32>], vector<16xf32>,
    tpu.vector_store_idx %arg6[%get3A_202], %broadcast_in_dim3A_5 : memref<26000xf32, #tpu.memory_space<vmem>>[vector<16xi32>], vector<16xf32>,
    %mul3A_203 = arith.constant 32 : i32
    %mul3A_204 = arith.muli %add3A, %mul3A_203 : i32
    %add3A_205 = arith.constant 24 : i32
    %add3A_206 = arith.addi %mul3A_204, %add3A_205 : i32
    "tpu.region"() ({
      %run_scoped3A = tpu.sem_alloc : memref<!tpu.dma_semaphore, #tpu.memory_space<semaphore_mem>>
      %dma_start3A = arith.constant 0 : i32
      %dma_start3A_263 = tpu.memref_slice %arg4[%add3A_206, %dma_start3A] : memref<1024x26000xf32, #tpu.memory_space<hbm>> -> memref<1x26000xf32, #tpu.memory_space<hbm>>
      %dma_start3A_264 = tpu.memref_squeeze %dma_start3A_263 : memref<1x26000xf32, #tpu.memory_space<hbm>> -> memref<26000xf32, #tpu.memory_space<hbm>>
      %dma_start3A_265 = arith.constant 0 : i32
      %dma_start3A_266 = tpu.memref_slice %arg4[%add3A_206, %dma_start3A_265] : memref<1024x26000xf32, #tpu.memory_space<hbm>> -> memref<1x26000xf32, #tpu.memory_space<hbm>>
      %dma_start3A_267 = tpu.memref_squeeze %dma_start3A_266 : memref<1x26000xf32, #tpu.memory_space<hbm>> -> memref<26000xf32, #tpu.memory_space<hbm>>
      tpu.enqueue_dma source(%arg6 : memref<26000xf32, #tpu.memory_space<vmem>>) target(%dma_start3A_267 : memref<26000xf32, #tpu.memory_space<hbm>>) target_semaphore(%run_scoped3A : memref<!tpu.dma_semaphore, #tpu.memory_space<semaphore_mem>>)
      %dma_wait3A = arith.constant 0 : i32
      %dma_wait3A_268 = tpu.memref_slice %arg4[%add3A_206, %dma_wait3A] : memref<1024x26000xf32, #tpu.memory_space<hbm>> -> memref<1x26000xf32, #tpu.memory_space<hbm>>
      %dma_wait3A_269 = tpu.memref_squeeze %dma_wait3A_268 : memref<1x26000xf32, #tpu.memory_space<hbm>> -> memref<26000xf32, #tpu.memory_space<hbm>>
      %dma_wait3A_270 = arith.constant 0 : i32
      %dma_wait3A_271 = tpu.memref_slice %arg4[%add3A_206, %dma_wait3A_270] : memref<1024x26000xf32, #tpu.memory_space<hbm>> -> memref<1x26000xf32, #tpu.memory_space<hbm>>
      %dma_wait3A_272 = tpu.memref_squeeze %dma_wait3A_271 : memref<1x26000xf32, #tpu.memory_space<hbm>> -> memref<26000xf32, #tpu.memory_space<hbm>>
      tpu.wait_dma2 semaphore(%run_scoped3A : memref<!tpu.dma_semaphore, #tpu.memory_space<semaphore_mem>>) src(%arg6 : memref<26000xf32, #tpu.memory_space<vmem>>) dst(%dma_wait3A_272 : memref<26000xf32, #tpu.memory_space<hbm>>)
      tpu.yield
    }) : () -> ()
    tpu.vector_store_idx %arg6[%get3A_200], %broadcast_in_dim3A_7 : memref<26000xf32, #tpu.memory_space<vmem>>[vector<16xi32>], vector<16xf32>,
    tpu.vector_store_idx %arg6[%get3A_202], %broadcast_in_dim3A_7 : memref<26000xf32, #tpu.memory_space<vmem>>[vector<16xi32>], vector<16xf32>,
    %get3A_207 = arith.constant 800 : index
    %get3A_208 = tpu.vector_load %arg5[%get3A_207] {strides = array<i32>} : memref<1024xi32, #tpu.memory_space<vmem>>, vector<16xi32>,
    %get3A_209 = arith.constant 816 : index
    %get3A_210 = tpu.vector_load %arg5[%get3A_209] {strides = array<i32>} : memref<1024xi32, #tpu.memory_space<vmem>>, vector<16xi32>,
    tpu.vector_store_idx %arg6[%get3A_208], %broadcast_in_dim3A_5 : memref<26000xf32, #tpu.memory_space<vmem>>[vector<16xi32>], vector<16xf32>,
    tpu.vector_store_idx %arg6[%get3A_210], %broadcast_in_dim3A_5 : memref<26000xf32, #tpu.memory_space<vmem>>[vector<16xi32>], vector<16xf32>,
    %mul3A_211 = arith.constant 32 : i32
    %mul3A_212 = arith.muli %add3A, %mul3A_211 : i32
    %add3A_213 = arith.constant 25 : i32
    %add3A_214 = arith.addi %mul3A_212, %add3A_213 : i32
    "tpu.region"() ({
      %run_scoped3A = tpu.sem_alloc : memref<!tpu.dma_semaphore, #tpu.memory_space<semaphore_mem>>
      %dma_start3A = arith.constant 0 : i32
      %dma_start3A_263 = tpu.memref_slice %arg4[%add3A_214, %dma_start3A] : memref<1024x26000xf32, #tpu.memory_space<hbm>> -> memref<1x26000xf32, #tpu.memory_space<hbm>>
      %dma_start3A_264 = tpu.memref_squeeze %dma_start3A_263 : memref<1x26000xf32, #tpu.memory_space<hbm>> -> memref<26000xf32, #tpu.memory_space<hbm>>
      %dma_start3A_265 = arith.constant 0 : i32
      %dma_start3A_266 = tpu.memref_slice %arg4[%add3A_214, %dma_start3A_265] : memref<1024x26000xf32, #tpu.memory_space<hbm>> -> memref<1x26000xf32, #tpu.memory_space<hbm>>
      %dma_start3A_267 = tpu.memref_squeeze %dma_start3A_266 : memref<1x26000xf32, #tpu.memory_space<hbm>> -> memref<26000xf32, #tpu.memory_space<hbm>>
      tpu.enqueue_dma source(%arg6 : memref<26000xf32, #tpu.memory_space<vmem>>) target(%dma_start3A_267 : memref<26000xf32, #tpu.memory_space<hbm>>) target_semaphore(%run_scoped3A : memref<!tpu.dma_semaphore, #tpu.memory_space<semaphore_mem>>)
      %dma_wait3A = arith.constant 0 : i32
      %dma_wait3A_268 = tpu.memref_slice %arg4[%add3A_214, %dma_wait3A] : memref<1024x26000xf32, #tpu.memory_space<hbm>> -> memref<1x26000xf32, #tpu.memory_space<hbm>>
      %dma_wait3A_269 = tpu.memref_squeeze %dma_wait3A_268 : memref<1x26000xf32, #tpu.memory_space<hbm>> -> memref<26000xf32, #tpu.memory_space<hbm>>
      %dma_wait3A_270 = arith.constant 0 : i32
      %dma_wait3A_271 = tpu.memref_slice %arg4[%add3A_214, %dma_wait3A_270] : memref<1024x26000xf32, #tpu.memory_space<hbm>> -> memref<1x26000xf32, #tpu.memory_space<hbm>>
      %dma_wait3A_272 = tpu.memref_squeeze %dma_wait3A_271 : memref<1x26000xf32, #tpu.memory_space<hbm>> -> memref<26000xf32, #tpu.memory_space<hbm>>
      tpu.wait_dma2 semaphore(%run_scoped3A : memref<!tpu.dma_semaphore, #tpu.memory_space<semaphore_mem>>) src(%arg6 : memref<26000xf32, #tpu.memory_space<vmem>>) dst(%dma_wait3A_272 : memref<26000xf32, #tpu.memory_space<hbm>>)
      tpu.yield
    }) : () -> ()
    tpu.vector_store_idx %arg6[%get3A_208], %broadcast_in_dim3A_7 : memref<26000xf32, #tpu.memory_space<vmem>>[vector<16xi32>], vector<16xf32>,
    tpu.vector_store_idx %arg6[%get3A_210], %broadcast_in_dim3A_7 : memref<26000xf32, #tpu.memory_space<vmem>>[vector<16xi32>], vector<16xf32>,
    %get3A_215 = arith.constant 832 : index
    %get3A_216 = tpu.vector_load %arg5[%get3A_215] {strides = array<i32>} : memref<1024xi32, #tpu.memory_space<vmem>>, vector<16xi32>,
    %get3A_217 = arith.constant 848 : index
    %get3A_218 = tpu.vector_load %arg5[%get3A_217] {strides = array<i32>} : memref<1024xi32, #tpu.memory_space<vmem>>, vector<16xi32>,
    tpu.vector_store_idx %arg6[%get3A_216], %broadcast_in_dim3A_5 : memref<26000xf32, #tpu.memory_space<vmem>>[vector<16xi32>], vector<16xf32>,
    tpu.vector_store_idx %arg6[%get3A_218], %broadcast_in_dim3A_5 : memref<26000xf32, #tpu.memory_space<vmem>>[vector<16xi32>], vector<16xf32>,
    %mul3A_219 = arith.constant 32 : i32
    %mul3A_220 = arith.muli %add3A, %mul3A_219 : i32
    %add3A_221 = arith.constant 26 : i32
    %add3A_222 = arith.addi %mul3A_220, %add3A_221 : i32
    "tpu.region"() ({
      %run_scoped3A = tpu.sem_alloc : memref<!tpu.dma_semaphore, #tpu.memory_space<semaphore_mem>>
      %dma_start3A = arith.constant 0 : i32
      %dma_start3A_263 = tpu.memref_slice %arg4[%add3A_222, %dma_start3A] : memref<1024x26000xf32, #tpu.memory_space<hbm>> -> memref<1x26000xf32, #tpu.memory_space<hbm>>
      %dma_start3A_264 = tpu.memref_squeeze %dma_start3A_263 : memref<1x26000xf32, #tpu.memory_space<hbm>> -> memref<26000xf32, #tpu.memory_space<hbm>>
      %dma_start3A_265 = arith.constant 0 : i32
      %dma_start3A_266 = tpu.memref_slice %arg4[%add3A_222, %dma_start3A_265] : memref<1024x26000xf32, #tpu.memory_space<hbm>> -> memref<1x26000xf32, #tpu.memory_space<hbm>>
      %dma_start3A_267 = tpu.memref_squeeze %dma_start3A_266 : memref<1x26000xf32, #tpu.memory_space<hbm>> -> memref<26000xf32, #tpu.memory_space<hbm>>
      tpu.enqueue_dma source(%arg6 : memref<26000xf32, #tpu.memory_space<vmem>>) target(%dma_start3A_267 : memref<26000xf32, #tpu.memory_space<hbm>>) target_semaphore(%run_scoped3A : memref<!tpu.dma_semaphore, #tpu.memory_space<semaphore_mem>>)
      %dma_wait3A = arith.constant 0 : i32
      %dma_wait3A_268 = tpu.memref_slice %arg4[%add3A_222, %dma_wait3A] : memref<1024x26000xf32, #tpu.memory_space<hbm>> -> memref<1x26000xf32, #tpu.memory_space<hbm>>
      %dma_wait3A_269 = tpu.memref_squeeze %dma_wait3A_268 : memref<1x26000xf32, #tpu.memory_space<hbm>> -> memref<26000xf32, #tpu.memory_space<hbm>>
      %dma_wait3A_270 = arith.constant 0 : i32
      %dma_wait3A_271 = tpu.memref_slice %arg4[%add3A_222, %dma_wait3A_270] : memref<1024x26000xf32, #tpu.memory_space<hbm>> -> memref<1x26000xf32, #tpu.memory_space<hbm>>
      %dma_wait3A_272 = tpu.memref_squeeze %dma_wait3A_271 : memref<1x26000xf32, #tpu.memory_space<hbm>> -> memref<26000xf32, #tpu.memory_space<hbm>>
      tpu.wait_dma2 semaphore(%run_scoped3A : memref<!tpu.dma_semaphore, #tpu.memory_space<semaphore_mem>>) src(%arg6 : memref<26000xf32, #tpu.memory_space<vmem>>) dst(%dma_wait3A_272 : memref<26000xf32, #tpu.memory_space<hbm>>)
      tpu.yield
    }) : () -> ()
    tpu.vector_store_idx %arg6[%get3A_216], %broadcast_in_dim3A_7 : memref<26000xf32, #tpu.memory_space<vmem>>[vector<16xi32>], vector<16xf32>,
    tpu.vector_store_idx %arg6[%get3A_218], %broadcast_in_dim3A_7 : memref<26000xf32, #tpu.memory_space<vmem>>[vector<16xi32>], vector<16xf32>,
    %get3A_223 = arith.constant 864 : index
    %get3A_224 = tpu.vector_load %arg5[%get3A_223] {strides = array<i32>} : memref<1024xi32, #tpu.memory_space<vmem>>, vector<16xi32>,
    %get3A_225 = arith.constant 880 : index
    %get3A_226 = tpu.vector_load %arg5[%get3A_225] {strides = array<i32>} : memref<1024xi32, #tpu.memory_space<vmem>>, vector<16xi32>,
    tpu.vector_store_idx %arg6[%get3A_224], %broadcast_in_dim3A_5 : memref<26000xf32, #tpu.memory_space<vmem>>[vector<16xi32>], vector<16xf32>,
    tpu.vector_store_idx %arg6[%get3A_226], %broadcast_in_dim3A_5 : memref<26000xf32, #tpu.memory_space<vmem>>[vector<16xi32>], vector<16xf32>,
    %mul3A_227 = arith.constant 32 : i32
    %mul3A_228 = arith.muli %add3A, %mul3A_227 : i32
    %add3A_229 = arith.constant 27 : i32
    %add3A_230 = arith.addi %mul3A_228, %add3A_229 : i32
    "tpu.region"() ({
      %run_scoped3A = tpu.sem_alloc : memref<!tpu.dma_semaphore, #tpu.memory_space<semaphore_mem>>
      %dma_start3A = arith.constant 0 : i32
      %dma_start3A_263 = tpu.memref_slice %arg4[%add3A_230, %dma_start3A] : memref<1024x26000xf32, #tpu.memory_space<hbm>> -> memref<1x26000xf32, #tpu.memory_space<hbm>>
      %dma_start3A_264 = tpu.memref_squeeze %dma_start3A_263 : memref<1x26000xf32, #tpu.memory_space<hbm>> -> memref<26000xf32, #tpu.memory_space<hbm>>
      %dma_start3A_265 = arith.constant 0 : i32
      %dma_start3A_266 = tpu.memref_slice %arg4[%add3A_230, %dma_start3A_265] : memref<1024x26000xf32, #tpu.memory_space<hbm>> -> memref<1x26000xf32, #tpu.memory_space<hbm>>
      %dma_start3A_267 = tpu.memref_squeeze %dma_start3A_266 : memref<1x26000xf32, #tpu.memory_space<hbm>> -> memref<26000xf32, #tpu.memory_space<hbm>>
      tpu.enqueue_dma source(%arg6 : memref<26000xf32, #tpu.memory_space<vmem>>) target(%dma_start3A_267 : memref<26000xf32, #tpu.memory_space<hbm>>) target_semaphore(%run_scoped3A : memref<!tpu.dma_semaphore, #tpu.memory_space<semaphore_mem>>)
      %dma_wait3A = arith.constant 0 : i32
      %dma_wait3A_268 = tpu.memref_slice %arg4[%add3A_230, %dma_wait3A] : memref<1024x26000xf32, #tpu.memory_space<hbm>> -> memref<1x26000xf32, #tpu.memory_space<hbm>>
      %dma_wait3A_269 = tpu.memref_squeeze %dma_wait3A_268 : memref<1x26000xf32, #tpu.memory_space<hbm>> -> memref<26000xf32, #tpu.memory_space<hbm>>
      %dma_wait3A_270 = arith.constant 0 : i32
      %dma_wait3A_271 = tpu.memref_slice %arg4[%add3A_230, %dma_wait3A_270] : memref<1024x26000xf32, #tpu.memory_space<hbm>> -> memref<1x26000xf32, #tpu.memory_space<hbm>>
      %dma_wait3A_272 = tpu.memref_squeeze %dma_wait3A_271 : memref<1x26000xf32, #tpu.memory_space<hbm>> -> memref<26000xf32, #tpu.memory_space<hbm>>
      tpu.wait_dma2 semaphore(%run_scoped3A : memref<!tpu.dma_semaphore, #tpu.memory_space<semaphore_mem>>) src(%arg6 : memref<26000xf32, #tpu.memory_space<vmem>>) dst(%dma_wait3A_272 : memref<26000xf32, #tpu.memory_space<hbm>>)
      tpu.yield
    }) : () -> ()
    tpu.vector_store_idx %arg6[%get3A_224], %broadcast_in_dim3A_7 : memref<26000xf32, #tpu.memory_space<vmem>>[vector<16xi32>], vector<16xf32>,
    tpu.vector_store_idx %arg6[%get3A_226], %broadcast_in_dim3A_7 : memref<26000xf32, #tpu.memory_space<vmem>>[vector<16xi32>], vector<16xf32>,
    %get3A_231 = arith.constant 896 : index
    %get3A_232 = tpu.vector_load %arg5[%get3A_231] {strides = array<i32>} : memref<1024xi32, #tpu.memory_space<vmem>>, vector<16xi32>,
    %get3A_233 = arith.constant 912 : index
    %get3A_234 = tpu.vector_load %arg5[%get3A_233] {strides = array<i32>} : memref<1024xi32, #tpu.memory_space<vmem>>, vector<16xi32>,
    tpu.vector_store_idx %arg6[%get3A_232], %broadcast_in_dim3A_5 : memref<26000xf32, #tpu.memory_space<vmem>>[vector<16xi32>], vector<16xf32>,
    tpu.vector_store_idx %arg6[%get3A_234], %broadcast_in_dim3A_5 : memref<26000xf32, #tpu.memory_space<vmem>>[vector<16xi32>], vector<16xf32>,
    %mul3A_235 = arith.constant 32 : i32
    %mul3A_236 = arith.muli %add3A, %mul3A_235 : i32
    %add3A_237 = arith.constant 28 : i32
    %add3A_238 = arith.addi %mul3A_236, %add3A_237 : i32
    "tpu.region"() ({
      %run_scoped3A = tpu.sem_alloc : memref<!tpu.dma_semaphore, #tpu.memory_space<semaphore_mem>>
      %dma_start3A = arith.constant 0 : i32
      %dma_start3A_263 = tpu.memref_slice %arg4[%add3A_238, %dma_start3A] : memref<1024x26000xf32, #tpu.memory_space<hbm>> -> memref<1x26000xf32, #tpu.memory_space<hbm>>
      %dma_start3A_264 = tpu.memref_squeeze %dma_start3A_263 : memref<1x26000xf32, #tpu.memory_space<hbm>> -> memref<26000xf32, #tpu.memory_space<hbm>>
      %dma_start3A_265 = arith.constant 0 : i32
      %dma_start3A_266 = tpu.memref_slice %arg4[%add3A_238, %dma_start3A_265] : memref<1024x26000xf32, #tpu.memory_space<hbm>> -> memref<1x26000xf32, #tpu.memory_space<hbm>>
      %dma_start3A_267 = tpu.memref_squeeze %dma_start3A_266 : memref<1x26000xf32, #tpu.memory_space<hbm>> -> memref<26000xf32, #tpu.memory_space<hbm>>
      tpu.enqueue_dma source(%arg6 : memref<26000xf32, #tpu.memory_space<vmem>>) target(%dma_start3A_267 : memref<26000xf32, #tpu.memory_space<hbm>>) target_semaphore(%run_scoped3A : memref<!tpu.dma_semaphore, #tpu.memory_space<semaphore_mem>>)
      %dma_wait3A = arith.constant 0 : i32
      %dma_wait3A_268 = tpu.memref_slice %arg4[%add3A_238, %dma_wait3A] : memref<1024x26000xf32, #tpu.memory_space<hbm>> -> memref<1x26000xf32, #tpu.memory_space<hbm>>
      %dma_wait3A_269 = tpu.memref_squeeze %dma_wait3A_268 : memref<1x26000xf32, #tpu.memory_space<hbm>> -> memref<26000xf32, #tpu.memory_space<hbm>>
      %dma_wait3A_270 = arith.constant 0 : i32
      %dma_wait3A_271 = tpu.memref_slice %arg4[%add3A_238, %dma_wait3A_270] : memref<1024x26000xf32, #tpu.memory_space<hbm>> -> memref<1x26000xf32, #tpu.memory_space<hbm>>
      %dma_wait3A_272 = tpu.memref_squeeze %dma_wait3A_271 : memref<1x26000xf32, #tpu.memory_space<hbm>> -> memref<26000xf32, #tpu.memory_space<hbm>>
      tpu.wait_dma2 semaphore(%run_scoped3A : memref<!tpu.dma_semaphore, #tpu.memory_space<semaphore_mem>>) src(%arg6 : memref<26000xf32, #tpu.memory_space<vmem>>) dst(%dma_wait3A_272 : memref<26000xf32, #tpu.memory_space<hbm>>)
      tpu.yield
    }) : () -> ()
    tpu.vector_store_idx %arg6[%get3A_232], %broadcast_in_dim3A_7 : memref<26000xf32, #tpu.memory_space<vmem>>[vector<16xi32>], vector<16xf32>,
    tpu.vector_store_idx %arg6[%get3A_234], %broadcast_in_dim3A_7 : memref<26000xf32, #tpu.memory_space<vmem>>[vector<16xi32>], vector<16xf32>,
    %get3A_239 = arith.constant 928 : index
    %get3A_240 = tpu.vector_load %arg5[%get3A_239] {strides = array<i32>} : memref<1024xi32, #tpu.memory_space<vmem>>, vector<16xi32>,
    %get3A_241 = arith.constant 944 : index
    %get3A_242 = tpu.vector_load %arg5[%get3A_241] {strides = array<i32>} : memref<1024xi32, #tpu.memory_space<vmem>>, vector<16xi32>,
    tpu.vector_store_idx %arg6[%get3A_240], %broadcast_in_dim3A_5 : memref<26000xf32, #tpu.memory_space<vmem>>[vector<16xi32>], vector<16xf32>,
    tpu.vector_store_idx %arg6[%get3A_242], %broadcast_in_dim3A_5 : memref<26000xf32, #tpu.memory_space<vmem>>[vector<16xi32>], vector<16xf32>,
    %mul3A_243 = arith.constant 32 : i32
    %mul3A_244 = arith.muli %add3A, %mul3A_243 : i32
    %add3A_245 = arith.constant 29 : i32
    %add3A_246 = arith.addi %mul3A_244, %add3A_245 : i32
    "tpu.region"() ({
      %run_scoped3A = tpu.sem_alloc : memref<!tpu.dma_semaphore, #tpu.memory_space<semaphore_mem>>
      %dma_start3A = arith.constant 0 : i32
      %dma_start3A_263 = tpu.memref_slice %arg4[%add3A_246, %dma_start3A] : memref<1024x26000xf32, #tpu.memory_space<hbm>> -> memref<1x26000xf32, #tpu.memory_space<hbm>>
      %dma_start3A_264 = tpu.memref_squeeze %dma_start3A_263 : memref<1x26000xf32, #tpu.memory_space<hbm>> -> memref<26000xf32, #tpu.memory_space<hbm>>
      %dma_start3A_265 = arith.constant 0 : i32
      %dma_start3A_266 = tpu.memref_slice %arg4[%add3A_246, %dma_start3A_265] : memref<1024x26000xf32, #tpu.memory_space<hbm>> -> memref<1x26000xf32, #tpu.memory_space<hbm>>
      %dma_start3A_267 = tpu.memref_squeeze %dma_start3A_266 : memref<1x26000xf32, #tpu.memory_space<hbm>> -> memref<26000xf32, #tpu.memory_space<hbm>>
      tpu.enqueue_dma source(%arg6 : memref<26000xf32, #tpu.memory_space<vmem>>) target(%dma_start3A_267 : memref<26000xf32, #tpu.memory_space<hbm>>) target_semaphore(%run_scoped3A : memref<!tpu.dma_semaphore, #tpu.memory_space<semaphore_mem>>)
      %dma_wait3A = arith.constant 0 : i32
      %dma_wait3A_268 = tpu.memref_slice %arg4[%add3A_246, %dma_wait3A] : memref<1024x26000xf32, #tpu.memory_space<hbm>> -> memref<1x26000xf32, #tpu.memory_space<hbm>>
      %dma_wait3A_269 = tpu.memref_squeeze %dma_wait3A_268 : memref<1x26000xf32, #tpu.memory_space<hbm>> -> memref<26000xf32, #tpu.memory_space<hbm>>
      %dma_wait3A_270 = arith.constant 0 : i32
      %dma_wait3A_271 = tpu.memref_slice %arg4[%add3A_246, %dma_wait3A_270] : memref<1024x26000xf32, #tpu.memory_space<hbm>> -> memref<1x26000xf32, #tpu.memory_space<hbm>>
      %dma_wait3A_272 = tpu.memref_squeeze %dma_wait3A_271 : memref<1x26000xf32, #tpu.memory_space<hbm>> -> memref<26000xf32, #tpu.memory_space<hbm>>
      tpu.wait_dma2 semaphore(%run_scoped3A : memref<!tpu.dma_semaphore, #tpu.memory_space<semaphore_mem>>) src(%arg6 : memref<26000xf32, #tpu.memory_space<vmem>>) dst(%dma_wait3A_272 : memref<26000xf32, #tpu.memory_space<hbm>>)
      tpu.yield
    }) : () -> ()
    tpu.vector_store_idx %arg6[%get3A_240], %broadcast_in_dim3A_7 : memref<26000xf32, #tpu.memory_space<vmem>>[vector<16xi32>], vector<16xf32>,
    tpu.vector_store_idx %arg6[%get3A_242], %broadcast_in_dim3A_7 : memref<26000xf32, #tpu.memory_space<vmem>>[vector<16xi32>], vector<16xf32>,
    %get3A_247 = arith.constant 960 : index
    %get3A_248 = tpu.vector_load %arg5[%get3A_247] {strides = array<i32>} : memref<1024xi32, #tpu.memory_space<vmem>>, vector<16xi32>,
    %get3A_249 = arith.constant 976 : index
    %get3A_250 = tpu.vector_load %arg5[%get3A_249] {strides = array<i32>} : memref<1024xi32, #tpu.memory_space<vmem>>, vector<16xi32>,
    tpu.vector_store_idx %arg6[%get3A_248], %broadcast_in_dim3A_5 : memref<26000xf32, #tpu.memory_space<vmem>>[vector<16xi32>], vector<16xf32>,
    tpu.vector_store_idx %arg6[%get3A_250], %broadcast_in_dim3A_5 : memref<26000xf32, #tpu.memory_space<vmem>>[vector<16xi32>], vector<16xf32>,
    %mul3A_251 = arith.constant 32 : i32
    %mul3A_252 = arith.muli %add3A, %mul3A_251 : i32
    %add3A_253 = arith.constant 30 : i32
    %add3A_254 = arith.addi %mul3A_252, %add3A_253 : i32
    "tpu.region"() ({
      %run_scoped3A = tpu.sem_alloc : memref<!tpu.dma_semaphore, #tpu.memory_space<semaphore_mem>>
      %dma_start3A = arith.constant 0 : i32
      %dma_start3A_263 = tpu.memref_slice %arg4[%add3A_254, %dma_start3A] : memref<1024x26000xf32, #tpu.memory_space<hbm>> -> memref<1x26000xf32, #tpu.memory_space<hbm>>
      %dma_start3A_264 = tpu.memref_squeeze %dma_start3A_263 : memref<1x26000xf32, #tpu.memory_space<hbm>> -> memref<26000xf32, #tpu.memory_space<hbm>>
      %dma_start3A_265 = arith.constant 0 : i32
      %dma_start3A_266 = tpu.memref_slice %arg4[%add3A_254, %dma_start3A_265] : memref<1024x26000xf32, #tpu.memory_space<hbm>> -> memref<1x26000xf32, #tpu.memory_space<hbm>>
      %dma_start3A_267 = tpu.memref_squeeze %dma_start3A_266 : memref<1x26000xf32, #tpu.memory_space<hbm>> -> memref<26000xf32, #tpu.memory_space<hbm>>
      tpu.enqueue_dma source(%arg6 : memref<26000xf32, #tpu.memory_space<vmem>>) target(%dma_start3A_267 : memref<26000xf32, #tpu.memory_space<hbm>>) target_semaphore(%run_scoped3A : memref<!tpu.dma_semaphore, #tpu.memory_space<semaphore_mem>>)
      %dma_wait3A = arith.constant 0 : i32
      %dma_wait3A_268 = tpu.memref_slice %arg4[%add3A_254, %dma_wait3A] : memref<1024x26000xf32, #tpu.memory_space<hbm>> -> memref<1x26000xf32, #tpu.memory_space<hbm>>
      %dma_wait3A_269 = tpu.memref_squeeze %dma_wait3A_268 : memref<1x26000xf32, #tpu.memory_space<hbm>> -> memref<26000xf32, #tpu.memory_space<hbm>>
      %dma_wait3A_270 = arith.constant 0 : i32
      %dma_wait3A_271 = tpu.memref_slice %arg4[%add3A_254, %dma_wait3A_270] : memref<1024x26000xf32, #tpu.memory_space<hbm>> -> memref<1x26000xf32, #tpu.memory_space<hbm>>
      %dma_wait3A_272 = tpu.memref_squeeze %dma_wait3A_271 : memref<1x26000xf32, #tpu.memory_space<hbm>> -> memref<26000xf32, #tpu.memory_space<hbm>>
      tpu.wait_dma2 semaphore(%run_scoped3A : memref<!tpu.dma_semaphore, #tpu.memory_space<semaphore_mem>>) src(%arg6 : memref<26000xf32, #tpu.memory_space<vmem>>) dst(%dma_wait3A_272 : memref<26000xf32, #tpu.memory_space<hbm>>)
      tpu.yield
    }) : () -> ()
    tpu.vector_store_idx %arg6[%get3A_248], %broadcast_in_dim3A_7 : memref<26000xf32, #tpu.memory_space<vmem>>[vector<16xi32>], vector<16xf32>,
    tpu.vector_store_idx %arg6[%get3A_250], %broadcast_in_dim3A_7 : memref<26000xf32, #tpu.memory_space<vmem>>[vector<16xi32>], vector<16xf32>,
    %get3A_255 = arith.constant 992 : index
    %get3A_256 = tpu.vector_load %arg5[%get3A_255] {strides = array<i32>} : memref<1024xi32, #tpu.memory_space<vmem>>, vector<16xi32>,
    %get3A_257 = arith.constant 1008 : index
    %get3A_258 = tpu.vector_load %arg5[%get3A_257] {strides = array<i32>} : memref<1024xi32, #tpu.memory_space<vmem>>, vector<16xi32>,
    tpu.vector_store_idx %arg6[%get3A_256], %broadcast_in_dim3A_5 : memref<26000xf32, #tpu.memory_space<vmem>>[vector<16xi32>], vector<16xf32>,
    tpu.vector_store_idx %arg6[%get3A_258], %broadcast_in_dim3A_5 : memref<26000xf32, #tpu.memory_space<vmem>>[vector<16xi32>], vector<16xf32>,
    %mul3A_259 = arith.constant 32 : i32
    %mul3A_260 = arith.muli %add3A, %mul3A_259 : i32
    %add3A_261 = arith.constant 31 : i32
    %add3A_262 = arith.addi %mul3A_260, %add3A_261 : i32
    "tpu.region"() ({
      %run_scoped3A = tpu.sem_alloc : memref<!tpu.dma_semaphore, #tpu.memory_space<semaphore_mem>>
      %dma_start3A = arith.constant 0 : i32
      %dma_start3A_263 = tpu.memref_slice %arg4[%add3A_262, %dma_start3A] : memref<1024x26000xf32, #tpu.memory_space<hbm>> -> memref<1x26000xf32, #tpu.memory_space<hbm>>
      %dma_start3A_264 = tpu.memref_squeeze %dma_start3A_263 : memref<1x26000xf32, #tpu.memory_space<hbm>> -> memref<26000xf32, #tpu.memory_space<hbm>>
      %dma_start3A_265 = arith.constant 0 : i32
      %dma_start3A_266 = tpu.memref_slice %arg4[%add3A_262, %dma_start3A_265] : memref<1024x26000xf32, #tpu.memory_space<hbm>> -> memref<1x26000xf32, #tpu.memory_space<hbm>>
      %dma_start3A_267 = tpu.memref_squeeze %dma_start3A_266 : memref<1x26000xf32, #tpu.memory_space<hbm>> -> memref<26000xf32, #tpu.memory_space<hbm>>
      tpu.enqueue_dma source(%arg6 : memref<26000xf32, #tpu.memory_space<vmem>>) target(%dma_start3A_267 : memref<26000xf32, #tpu.memory_space<hbm>>) target_semaphore(%run_scoped3A : memref<!tpu.dma_semaphore, #tpu.memory_space<semaphore_mem>>)
      %dma_wait3A = arith.constant 0 : i32
      %dma_wait3A_268 = tpu.memref_slice %arg4[%add3A_262, %dma_wait3A] : memref<1024x26000xf32, #tpu.memory_space<hbm>> -> memref<1x26000xf32, #tpu.memory_space<hbm>>
      %dma_wait3A_269 = tpu.memref_squeeze %dma_wait3A_268 : memref<1x26000xf32, #tpu.memory_space<hbm>> -> memref<26000xf32, #tpu.memory_space<hbm>>
      %dma_wait3A_270 = arith.constant 0 : i32
      %dma_wait3A_271 = tpu.memref_slice %arg4[%add3A_262, %dma_wait3A_270] : memref<1024x26000xf32, #tpu.memory_space<hbm>> -> memref<1x26000xf32, #tpu.memory_space<hbm>>
      %dma_wait3A_272 = tpu.memref_squeeze %dma_wait3A_271 : memref<1x26000xf32, #tpu.memory_space<hbm>> -> memref<26000xf32, #tpu.memory_space<hbm>>
      tpu.wait_dma2 semaphore(%run_scoped3A : memref<!tpu.dma_semaphore, #tpu.memory_space<semaphore_mem>>) src(%arg6 : memref<26000xf32, #tpu.memory_space<vmem>>) dst(%dma_wait3A_272 : memref<26000xf32, #tpu.memory_space<hbm>>)
      tpu.yield
    }) : () -> ()
    tpu.vector_store_idx %arg6[%get3A_256], %broadcast_in_dim3A_7 : memref<26000xf32, #tpu.memory_space<vmem>>[vector<16xi32>], vector<16xf32>,
    tpu.vector_store_idx %arg6[%get3A_258], %broadcast_in_dim3A_7 : memref<26000xf32, #tpu.memory_space<vmem>>[vector<16xi32>], vector<16xf32>,
    return
  }
}

</mosaic_0001>

<sc_bundles>
// kernel: kernel.3.cloned.1.call-start
scs
__scs_entry_jumppad:
0x0: {  	(pc) =	sbr.rel $0x88, $3  }
0x1: {  	(tag) =	ssettag $0x0;
	lr =	simm.s32 $0x1  }
0x2: {  	[smem:$0x3FA0] =	sst lr;
	_ =	strace $0xD0000000  }
0x3: {  	_ = 	snop  }
0x4: {  	_ = 	snop  }
0x5: {  	_ = 	snop  }
0x6: {  	_ = 	snop  }
0x7: {  	_ = 	snop  }
__scs_overlays_trampoline_lowered:
0x8: {  	[smem:$0x3FAF] =	sst s0  }
0x9: {  	[smem:$0x3FB0] =	sst s1  }
0xa: {  	[smem:$0x3FB1] =	sst s2  }
0xb: {  	[smem:$0x3FB2] =	sst s3  }
0xc: {  	[smem:$0x3FB3] =	sst s4  }
0xd: {  	[smem:$0x3FB4] =	sst s5  }
0xe: {  	[smem:$0x3FB5] =	sst s6  }
0xf: {  	[smem:$0x3FB6] =	sst s7  }
0x10: {  	[smem:$0x3FB7] =	sst s8  }
0x11: {  	[smem:$0x3FB8] =	sst s9;
	s0 =	simm.s32 @!p0 $0x0  }
0x12: {  	s1 =	sld [smem:$0x3F9E];
	s0 =	simm.s32 @p0 $0x1  }
0x13: {  	[smem:$0x3FB9] =	sst s0;
	s0 =	simm.s32 @!p1 $0x0  }
0x14: {  	s2 =	sld [smem:$0x3F9D];
	s0 =	simm.s32 @p1 $0x1  }
0x15: {  	[smem:$0x3FBA] =	sst s0;
	s0 =	simm.s32 @!p2 $0x0  }
0x16: {  	s3 =	sld [smem:$0x3FDB];
	s0 =	simm.s32 @p2 $0x1  }
0x17: {  	s4 =	simm.s32 $0x1BF5;
	[smem:$0x3FBC] =	sst s0  }
0x18: {  	s0 =	sld [smem:$0x3F9F];
	_ =	swait.ge [sflag:s4], $0x0  }
0x19: {  	s7 =	sld [smem:$0x3FA0]  }
0x1a: {  	s8 =	sadd.s32 $0xFFFFE003, lr  }
0x1b: {  	s9 =	sadd.s32 $0xFFFFFEF7, lr;
	s5 =	simm.s32 $0xFFFFFFFF;
	p2 =	slt.u32 s8, $0xFFFFF086  }
0x1c: {  	p1 =	slt.u32 s9, $0xF7A;
	s5 =	simm.s32 @!p2 $0x0  }
0x1d: {  	s5 =	simm.s32 @p1 $0x1;
	p0 =	seq.s32 s7, s2  }
0x1e: {  	s7 =	smul.u32 @!p0 $0xF7A, s2;
	p2 =	seq.s32 @!p0 s5, $0x0  }
0x1f: {  	s9 =	smul.u32 $0xF7A, s1;
	s8 =	simm.s32 @!p0 $0x1BF5;
	p2 =	por !p2, p0  }
0x20: {  	[sflag:s8] =	ssyncset.s32 @!p0 $0xFFFFF086;
	s6 =	sadd.s32 @!p0 s3, s7;
	s7 =	simm.s32 @!p0 $0x108  }
0x21: {  	s3 =	sadd.s32 s3, s9;
	s6 =	sadd.s32 @!p0 $0x88, s6;
	s7 =	simm.s32 @p2 $0x1082  }
0x22: {  	[simem:s7], [sflag:s8] =	dma.local @!p0 [hbm:s6], $0xF7A  }
0x23: {  	s9 =	sor.u32 $0xD0000000, s2;
	s6 =	simm.s32 $0x108;
	_ =	swait.ge @!p0 [sflag:s8], $0x0  }
0x24: {  	s3 =	sadd.s32 $0x88, s3;
	s6 =	simm.s32 @!p1 $0x1082;
	[sflag:s4] =	ssyncset.s32 $0xFFFFF086  }
0x25: {  	[simem:s6], [sflag:s4] =	dma.local [hbm:s3], $0xF7A  }
0x26: {  	[smem:$0x3FA0] =	sst s1;
	(tag) =	ssettag s2;
	_ =	strace s9  }
0x27: {  	s1 =	sld [smem:$0x3FB0]  }
0x28: {  	s2 =	sld [smem:$0x3FB1]  }
0x29: {  	s4 =	sld [smem:$0x3FB3]  }
0x2a: {  	p0 =	seq.s32 s5, $0x0;
	s5 =	sld [smem:$0x3FB4]  }
0x2b: {  	s6 =	sld [smem:$0x3FB5]  }
0x2c: {  	s7 =	sld [smem:$0x3FB6]  }
0x2d: {  	s3 =	simm.s32 $0x108;
	s8 =	sld [smem:$0x3FB7]  }
0x2e: {  	s3 =	simm.s32 @!p0 $0x1082;
	s9 =	sld [smem:$0x3FB8]  }
0x2f: {  	lr =	sadd.s32 s0, s3;
	s0 =	sld [smem:$0x3FAF]  }
0x30: {  	s3 =	sld [smem:$0x3FB2]  }
0x31: {  	[smem:$0x3FBB] =	sst s10  }
0x32: {  	s10 =	sld [smem:$0x3FB9];
	_ =	sdelay $0x3  }
0x33: {  	p0 =	seq.s32 s10, $0x1;
	s10 =	sld [smem:$0x3FBB];
	_ =	sdelay $0x3  }
0x34: {  	[smem:$0x3FBB] =	sst s10  }
0x35: {  	s10 =	sld [smem:$0x3FBA];
	_ =	sdelay $0x3  }
0x36: {  	p1 =	seq.s32 s10, $0x1;
	s10 =	sld [smem:$0x3FBB];
	_ =	sdelay $0x3  }
0x37: {  	[smem:$0x3FBB] =	sst s10  }
0x38: {  	s10 =	sld [smem:$0x3FBC]  }
0x39: {  	_ = 	snop;
	(pc) =	sbr.ind lr, $3  }
0x3a: {  	_ = 	snop  }
0x3b: {  	_ = 	snop  }
0x3c: {  	p2 =	seq.s32 s10, $0x1;
	s10 =	sld [smem:$0x3FBB]  }
0x3d: {  	_ =	shalt  }
0x3e: {  	_ =	shalt  }
0x3f: {  	_ =	shalt  }
0x40: {  	_ =	shalt  }
0x41: {  	_ =	shalt  }
0x42: {  	_ =	shalt  }
0x43: {  	_ =	shalt  }
0x44: {  	_ =	shalt  }
0x45: {  	_ =	shalt  }
0x46: {  	_ =	shalt  }
0x47: {  	_ =	shalt  }
0x48: {  	_ =	shalt  }
0x49: {  	_ =	shalt  }
0x4a: {  	_ =	shalt  }
0x4b: {  	_ =	shalt  }
0x4c: {  	_ =	shalt  }
0x4d: {  	_ =	shalt  }
0x4e: {  	_ =	shalt  }
0x4f: {  	_ =	shalt  }
0x50: {  	_ =	shalt  }
0x51: {  	_ =	shalt  }
0x52: {  	_ =	shalt  }
0x53: {  	_ =	shalt  }
0x54: {  	_ =	shalt  }
0x55: {  	_ =	shalt  }
0x56: {  	_ =	shalt  }
0x57: {  	_ =	shalt  }
0x58: {  	_ =	shalt  }
0x59: {  	_ =	shalt  }
0x5a: {  	_ =	shalt  }
0x5b: {  	_ =	shalt  }
0x5c: {  	_ =	shalt  }
0x5d: {  	_ =	shalt  }
0x5e: {  	_ =	shalt  }
0x5f: {  	_ =	shalt  }
0x60: {  	_ =	shalt  }
0x61: {  	_ =	shalt  }
0x62: {  	_ =	shalt  }
0x63: {  	_ =	shalt  }
0x64: {  	_ =	shalt  }
0x65: {  	_ =	shalt  }
0x66: {  	_ =	shalt  }
0x67: {  	_ =	shalt  }
0x68: {  	_ =	shalt  }
0x69: {  	_ =	shalt  }
0x6a: {  	_ =	shalt  }
0x6b: {  	_ =	shalt  }
0x6c: {  	_ =	shalt  }
0x6d: {  	_ =	shalt  }
0x6e: {  	_ =	shalt  }
0x6f: {  	_ =	shalt  }
0x70: {  	_ =	shalt  }
0x71: {  	_ =	shalt  }
0x72: {  	_ =	shalt  }
0x73: {  	_ =	shalt  }
0x74: {  	_ =	shalt  }
0x75: {  	_ =	shalt  }
0x76: {  	_ =	shalt  }
0x77: {  	_ =	shalt  }
0x78: {  	_ =	shalt  }
0x79: {  	_ =	shalt  }
0x7a: {  	_ =	shalt  }
0x7b: {  	_ =	shalt  }
0x7c: {  	_ =	shalt  }
0x7d: {  	_ =	shalt  }
0x7e: {  	_ =	shalt  }
0x7f: {  	_ =	shalt  }
0x80: {  	_ =	shalt  }
0x81: {  	_ =	shalt  }
0x82: {  	_ =	shalt  }
0x83: {  	_ =	shalt  }
0x84: {  	_ =	shalt  }
0x85: {  	_ =	shalt  }
0x86: {  	_ =	shalt  }
0x87: {  	_ =	shalt  }
.Lfunc_end0:
.L_simem_size_0:
called_computation_lowered:
.L_overlay_start_0:
0x88: {  	s2 =	sld [smem:$0x3FD9]  }
0x89: {  	s3 =	sld [smem:$0x3FFE];
	_ =	sdelay $0x1  }
0x8a: {  	s1 =	srdreg.scid  }
0x8b: {  	s0 =	sand.u32 $0x1, s1  }
0x8c: {  	s17 =	sshll.u32 s0, $0xA;
	s2 =	sadd.s32 s3, s2  }
0x8d: {  	s2 =	sadd.s32 s2, s17  }
0x8e: {  	[smem:$0x3FC7] =	sst s2  }
0x8f: {  	_ = 	snop  }
0x90: {  	s2 =	sld [smem:$0x3FD0];
	(tm) =	ssettm $0x1  }
0x91: {  	s18 =	sld [smem:$0x3FFB];
	_ =	sdelay $0x3  }
0x92: {  	_ =	strace s18  }
0x93: {  	s3 =	sld [smem:$0x3FFC];
	_ =	sdelay $0x3  }
0x94: {  	_ =	strace s3  }
0x95: {  	s3 =	sld [smem:$0x3FFD];
	_ =	sdelay $0x3  }
0x96: {  	_ =	strace s3  }
0x97: {  	_ =	strace $0x8FFFFFFF  }
0x98: {  	s19 =	sld [smem:$0x3FDB];
	_ =	sdelay $0x1  }
0x99: {  	s4 =	simm.s32 $_scs_section_size  }
0x9a: {  	s5 =	simm.s32 $_size__tile_overlayer_lowered;
	s6 =	simm.s32 $_tile_overlayer_lowered  }
0x9b: {  	s22 =	simm.s32 $0x1BFF;
	s21 =	sshll.u32 s6, $0x1;
	s3 =	sadd.s32 s4, s19  }
0x9c: {  	s7 =	simm.s32 $0x0;
	s20 =	sshll.u32 s5, $0x1;
	s5 =	sadd.s32 s21, s3  }
0x9d: {  	[timem:s7], [sflag:s22] =	dma.local [hbm:s5], s20  }
0x9e: {  	_ =	swait.ge [sflag:s22], s20  }
0x9f: {  	s4 =	ssub.s32 $0x0, s20;
	[sflag:s22] =	ssyncset.done $0x0  }
0xa0: {  	[sflag:s22] =	ssyncadd.s32 s4;
	_ =	sdelay $0x1  }
0xa1: {  	s23 =	simm.s32 $0x1B8B  }
0xa2: {  	_ =	swait.ge [sflag:s23], $0x1  }
0xa3: {  	[sflag:s23] =	ssyncset.done $0x0  }
0xa4: {  	s25 =	simm.s32 $0x1B8E;
	s24 =	sld [smem:$0x3FFE];
	[sflag:s23] =	ssyncadd.s32 $0xFFFFFFFF  }
0xa5: {  	s26 =	simm.s32 $execute0_lowered;
	[smem:$0x3FD2] =	sst s25  }
0xa6: {  	s5 =	sshll.u32 s26, $0x1;
	_ =	strace $0x80000046;
	[dreg:$0x1] =	wrdreg $0xFFFFFFFF  }
0xa7: {  	s28 =	simm.s32 $_size_execute0_lowered;
	s3 =	sadd.s32 s3, s5;
	[dreg:$0x0] =	wrdreg $0x0  }
0xa8: {  	s5 =	sshll.u32 s28, $0x1;
	[dreg:$0x2] =	wrdreg s3  }
0xa9: {  	[dreg:$0x3] =	wrdreg s5  }
0xaa: {  	[dreg:$0x4] =	wrdreg $0xC0  }
0xab: {  	_ =	task [dreg:s7], $0x5FFFF  }
0xac: {  	[dreg:$0x1] =	wrdreg $0xFFFFFFFF  }
0xad: {  	[dreg:$0x0] =	wrdreg $0x60  }
0xae: {  	[dreg:$0x2] =	wrdreg s2  }
0xaf: {  	[dreg:$0x3] =	wrdreg s24  }
0xb0: {  	[dreg:$0x4] =	wrdreg $0x9  }
0xb1: {  	_ =	task.clear_ibuf [dreg:s7], $0x5FFFF;
	_ =	strace $0x90000046  }
0xb2: {  	s29 =	simm.s32 $0x9;
	_ =	strace $0x80000048  }
0xb3: {  	_ =	swait.ge [sflag:s29], $0x1  }
0xb4: {  	[sflag:s29] =	ssyncadd.s32 $0xFFFFFFFF  }
0xb5: {  	_ =	strace $0x90000048  }
0xb6: {  	_ =	sfence  }
0xb7: {  	s30 =	sld [smem:$0x0];
	_ =	sdelay $0x2  }
0xb8: {  	s31 =	sshll.u32 s1, $0xD;
	s1 =	sshrl.u32 s1, $0x2  }
0xb9: {  	s3 =	sand.u32 $0x4000, s31;
	s1 =	sadd.s32 s1, s30  }
0xba: {  	s0 =	sor.u32 s3, s0;
	s1 =	sshll.u32 s1, $0x11  }
0xbb: {  	s0 =	sor.u32 s1, s0  }
0xbc: {  	s0 =	sadd.s32 $0x8F2B, s0  }
0xbd: {  	[sflag:s0] =	ssyncadd.remote.s32 $0x1  }
0xbe: {  	_ =	sfence.sel $0xFFFF  }
0xbf: {  	[dreg:$0x0] =	wrdreg $0xFFFFFFFF;
	(pc) =	sbr.abs _section_cstart, $3  }
0xc0: {  	[dreg:$0x1] =	wrdreg $0xFFFFFFFF  }
0xc1: {  	_ =	task.clear_ibuf [dreg:s7], $0x2FFFF;
	_ =	strace $0x9FFFFFFF  }
0xc2: {  	(tm) =	ssettm $0x7FFFFFFF  }
0xc3: {  	_ =	shalt  }
tec
execute0_lowered:
.L_overlay_start_1:
0x0: {  	(tag) =	ssettag $0x1  }
0x1: {  	s0 =	rddreg [dreg:$0x0]  }
0x2: {  	s4 =	srdreg.scid;
	s1 =	stileid.u32  }
0x3: {  	s3 =	rddreg [dreg:$0x1];
	s4 =	sand.u32 $0x1, s4;
	s5 =	sshll.u32 s1, $0x1  }
0x4: {  	s2 =	simm.s32 $0x0;
	s30 =	simm.s32 $0x1;
	s5 =	sor.u32 s4, s5  }
0x5: {  	[smem:$0x7FF] =	sst s2;
	s7 =	sadd.s32 $0x400, s3;
	s6 =	smul.u32 $0x19800, s5  }
0x6: {  	s8 =	sadd.s32 $0x1200, s3;
	_ =	strace $0x80000047;
	s18 =	sshll.u32 s5, $0x7  }
0x7: {  	[dreg:$0x3] =	wrdreg s7;
	s0 =	sadd.s32 s0, s18;
	s3 =	sadd.s32 s8, s6  }
0x8: {  	s31 =	simm.s32 $0x400;
	[dreg:$0x4] =	wrdreg s0;
	s19 =	sadd.s32 $0x10, s3  }
0x9: {  	s4 =	ssub.s32 $0x2, s4;
	s20 =	sadd.s32 $0x20, s3;
	[dreg:$0x5] =	wrdreg s19  }
0xa: {  	s5 =	smul.u32 $0xCC000, s5;
	s21 =	sadd.s32 $0x30, s3;
	[dreg:$0x6] =	wrdreg s20  }
0xb: {  	s23 =	sshrl.u32 s4, $0x1;
	s22 =	sadd.s32 $0x40, s3;
	[dreg:$0x7] =	wrdreg s21  }
0xc: {  	s29 =	ssub.s32 s4, s23;
	s24 =	sadd.s32 $0x50, s3;
	[dreg:$0x8] =	wrdreg s22  }
0xd: {  	s5 =	sshrl.u32 s5, $0x3;
	s25 =	sadd.s32 $0x60, s3;
	[dreg:$0x9] =	wrdreg s24  }
0xe: {  	s29 =	smax.u32 s29, $0x1;
	s26 =	sadd.s32 $0x70, s3;
	[dreg:$0xa] =	wrdreg s25  }
0xf: {  	s0 =	simm.s32 $0x80;
	s28 =	sadd.s32 s8, s5;
	[dreg:$0xb] =	wrdreg s26  }
0x10: {  	s4 =	sadd.s32 $0x6600, s28;
	s5 =	sadd.s32 $0x6610, s28;
	s6 =	sadd.s32 $0x6620, s28  }
0x11: {  	s7 =	sadd.s32 $0x6630, s28;
	s8 =	sadd.s32 $0x6640, s28;
	s9 =	sadd.s32 $0x6650, s28  }
0x12: {  	s10 =	sadd.s32 $0x6660, s28;
	s11 =	sadd.s32 $0x6670, s28;
	s12 =	sadd.s32 $0xCC00, s28  }
0x13: {  	s13 =	sadd.s32 $0xCC10, s28;
	s14 =	sadd.s32 $0xCC20, s28;
	s15 =	sadd.s32 $0xCC30, s28  }
0x14: {  	s16 =	sadd.s32 $0xCC40, s28;
	s17 =	sadd.s32 $0xCC50, s28;
	s18 =	sadd.s32 $0xCC60, s28  }
0x15: {  	s19 =	sadd.s32 $0xCC70, s28;
	s20 =	sadd.s32 $0x13200, s28;
	s21 =	sadd.s32 $0x13210, s28  }
0x16: {  	s22 =	sadd.s32 $0x13220, s28;
	s23 =	sadd.s32 $0x13230, s28;
	s24 =	sadd.s32 $0x13240, s28  }
0x17: {  	v0 =	vimm.f32 $1.000000000e+00;
	v1 =	vimm.f32 $0.0e+00;
	s25 =	sadd.s32 $0x13250, s28;
	s26 =	sadd.s32 $0x13260, s28;
	s28 =	sadd.s32 $0x13270, s28  }
.LBB2_1:
0x18: {  	s1 =	rddreg [dreg:$0x4]  }
0x19: {  	[tilespmem:s2], [sflag:$0x1] =	stream.linear.gather [hbm4b:s1+s2], $0x400, $0x38;
	[tilespmem:$0x6A00] =	vst v63  }
0x1a: {  	_ =	swait.ge [sflag:s30], $0x400  }
0x1b: {  	[sflag:s30] =	ssyncset.done $0x0  }
0x1c: {  	s1 =	rddreg [dreg:$0x3];
	[sflag:s30] =	ssyncadd.s32 $0xFFFFFC00  }
0x1d: {  	[tilespmem:s31], [sflag:$0x1] =	stream.linear.gather [hbm4b:s1+s2], $0x6600, $0x38;
	[tilespmem:$0x6A00] =	vst v63  }
0x1e: {  	_ =	swait.ge [sflag:s30], $0x6600  }
0x1f: {  	[sflag:s30] =	ssyncset.done $0x0  }
0x20: {  	[sflag:s30] =	ssyncadd.s32 $0xFFFF9A00  }
0x21: {  	v2 =	vld [tilespmem:$0x0]  }
0x22: {  	v3 =	vld [tilespmem:$0x10];
	_ =	sdelay $0x6  }
0x23: {  	[tilespmem:v2+s31+$0x0] =	vst.idx.msk $0xffff, v0  }
0x24: {  	[tilespmem:v3+s31+$0x0] =	vst.idx.msk $0xffff, v0  }
0x25: {  	[hbm4b:s3+s0] =	stream.strided.scatter [tilespmem:s31], [sflag:$0x1], $0x6600, s31, s0, $0x38;
	[tilespmem:$0x6A00] =	vst v63  }
0x26: {  	_ =	swait.ge [sflag:s30], $0x6600  }
0x27: {  	[sflag:s30] =	ssyncset.done $0x0  }
0x28: {  	[sflag:s30] =	ssyncadd.s32 $0xFFFF9A00  }
0x29: {  	[tilespmem:v2+s31+$0x0] =	vst.idx.msk $0xffff, v1  }
0x2a: {  	[tilespmem:v3+s31+$0x0] =	vst.idx.msk $0xffff, v1  }
0x2b: {  	v2 =	vld [tilespmem:$0x20]  }
0x2c: {  	v3 =	vld [tilespmem:$0x30];
	_ =	sdelay $0x6  }
0x2d: {  	[tilespmem:v2+s31+$0x0] =	vst.idx.msk $0xffff, v0  }
0x2e: {  	s1 =	rddreg [dreg:$0x5];
	[tilespmem:v3+s31+$0x0] =	vst.idx.msk $0xffff, v0  }
0x2f: {  	[hbm4b:s1+s0] =	stream.strided.scatter [tilespmem:s31], [sflag:$0x1], $0x6600, s31, s0, $0x38;
	[tilespmem:$0x6A00] =	vst v63  }
0x30: {  	_ =	swait.ge [sflag:s30], $0x6600  }
0x31: {  	[sflag:s30] =	ssyncset.done $0x0  }
0x32: {  	[sflag:s30] =	ssyncadd.s32 $0xFFFF9A00  }
0x33: {  	[tilespmem:v2+s31+$0x0] =	vst.idx.msk $0xffff, v1  }
0x34: {  	[tilespmem:v3+s31+$0x0] =	vst.idx.msk $0xffff, v1  }
0x35: {  	v2 =	vld [tilespmem:$0x40]  }
0x36: {  	v3 =	vld [tilespmem:$0x50];
	_ =	sdelay $0x6  }
0x37: {  	[tilespmem:v2+s31+$0x0] =	vst.idx.msk $0xffff, v0  }
0x38: {  	s1 =	rddreg [dreg:$0x6];
	[tilespmem:v3+s31+$0x0] =	vst.idx.msk $0xffff, v0  }
0x39: {  	[hbm4b:s1+s0] =	stream.strided.scatter [tilespmem:s31], [sflag:$0x1], $0x6600, s31, s0, $0x38;
	[tilespmem:$0x6A00] =	vst v63  }
0x3a: {  	_ =	swait.ge [sflag:s30], $0x6600  }
0x3b: {  	[sflag:s30] =	ssyncset.done $0x0  }
0x3c: {  	[sflag:s30] =	ssyncadd.s32 $0xFFFF9A00  }
0x3d: {  	[tilespmem:v2+s31+$0x0] =	vst.idx.msk $0xffff, v1  }
0x3e: {  	[tilespmem:v3+s31+$0x0] =	vst.idx.msk $0xffff, v1  }
0x3f: {  	v2 =	vld [tilespmem:$0x60]  }
0x40: {  	v3 =	vld [tilespmem:$0x70];
	_ =	sdelay $0x6  }
0x41: {  	[tilespmem:v2+s31+$0x0] =	vst.idx.msk $0xffff, v0  }
0x42: {  	s1 =	rddreg [dreg:$0x7];
	[tilespmem:v3+s31+$0x0] =	vst.idx.msk $0xffff, v0  }
0x43: {  	[hbm4b:s1+s0] =	stream.strided.scatter [tilespmem:s31], [sflag:$0x1], $0x6600, s31, s0, $0x38;
	[tilespmem:$0x6A00] =	vst v63  }
0x44: {  	_ =	swait.ge [sflag:s30], $0x6600  }
0x45: {  	[sflag:s30] =	ssyncset.done $0x0  }
0x46: {  	[sflag:s30] =	ssyncadd.s32 $0xFFFF9A00  }
0x47: {  	[tilespmem:v2+s31+$0x0] =	vst.idx.msk $0xffff, v1  }
0x48: {  	[tilespmem:v3+s31+$0x0] =	vst.idx.msk $0xffff, v1  }
0x49: {  	v2 =	vld [tilespmem:$0x80]  }
0x4a: {  	v3 =	vld [tilespmem:$0x90];
	_ =	sdelay $0x6  }
0x4b: {  	[tilespmem:v2+s31+$0x0] =	vst.idx.msk $0xffff, v0  }
0x4c: {  	s1 =	rddreg [dreg:$0x8];
	[tilespmem:v3+s31+$0x0] =	vst.idx.msk $0xffff, v0  }
0x4d: {  	[hbm4b:s1+s0] =	stream.strided.scatter [tilespmem:s31], [sflag:$0x1], $0x6600, s31, s0, $0x38;
	[tilespmem:$0x6A00] =	vst v63  }
0x4e: {  	_ =	swait.ge [sflag:s30], $0x6600  }
0x4f: {  	[sflag:s30] =	ssyncset.done $0x0  }
0x50: {  	[sflag:s30] =	ssyncadd.s32 $0xFFFF9A00  }
0x51: {  	[tilespmem:v2+s31+$0x0] =	vst.idx.msk $0xffff, v1  }
0x52: {  	[tilespmem:v3+s31+$0x0] =	vst.idx.msk $0xffff, v1  }
0x53: {  	v2 =	vld [tilespmem:$0xA0]  }
0x54: {  	v3 =	vld [tilespmem:$0xB0];
	_ =	sdelay $0x6  }
0x55: {  	[tilespmem:v2+s31+$0x0] =	vst.idx.msk $0xffff, v0  }
0x56: {  	s1 =	rddreg [dreg:$0x9];
	[tilespmem:v3+s31+$0x0] =	vst.idx.msk $0xffff, v0  }
0x57: {  	[hbm4b:s1+s0] =	stream.strided.scatter [tilespmem:s31], [sflag:$0x1], $0x6600, s31, s0, $0x38;
	[tilespmem:$0x6A00] =	vst v63  }
0x58: {  	_ =	swait.ge [sflag:s30], $0x6600  }
0x59: {  	[sflag:s30] =	ssyncset.done $0x0  }
0x5a: {  	[sflag:s30] =	ssyncadd.s32 $0xFFFF9A00  }
0x5b: {  	[tilespmem:v2+s31+$0x0] =	vst.idx.msk $0xffff, v1  }
0x5c: {  	[tilespmem:v3+s31+$0x0] =	vst.idx.msk $0xffff, v1  }
0x5d: {  	v2 =	vld [tilespmem:$0xC0]  }
0x5e: {  	v3 =	vld [tilespmem:$0xD0];
	_ =	sdelay $0x6  }
0x5f: {  	[tilespmem:v2+s31+$0x0] =	vst.idx.msk $0xffff, v0  }
0x60: {  	s1 =	rddreg [dreg:$0xa];
	[tilespmem:v3+s31+$0x0] =	vst.idx.msk $0xffff, v0  }
0x61: {  	[hbm4b:s1+s0] =	stream.strided.scatter [tilespmem:s31], [sflag:$0x1], $0x6600, s31, s0, $0x38;
	[tilespmem:$0x6A00] =	vst v63  }
0x62: {  	_ =	swait.ge [sflag:s30], $0x6600  }
0x63: {  	[sflag:s30] =	ssyncset.done $0x0  }
0x64: {  	[sflag:s30] =	ssyncadd.s32 $0xFFFF9A00  }
0x65: {  	[tilespmem:v2+s31+$0x0] =	vst.idx.msk $0xffff, v1  }
0x66: {  	[tilespmem:v3+s31+$0x0] =	vst.idx.msk $0xffff, v1  }
0x67: {  	v2 =	vld [tilespmem:$0xE0]  }
0x68: {  	v3 =	vld [tilespmem:$0xF0];
	_ =	sdelay $0x6  }
0x69: {  	[tilespmem:v2+s31+$0x0] =	vst.idx.msk $0xffff, v0  }
0x6a: {  	s1 =	rddreg [dreg:$0xb];
	[tilespmem:v3+s31+$0x0] =	vst.idx.msk $0xffff, v0  }
0x6b: {  	[hbm4b:s1+s0] =	stream.strided.scatter [tilespmem:s31], [sflag:$0x1], $0x6600, s31, s0, $0x38;
	[tilespmem:$0x6A00] =	vst v63  }
0x6c: {  	_ =	swait.ge [sflag:s30], $0x6600  }
0x6d: {  	[sflag:s30] =	ssyncset.done $0x0  }
0x6e: {  	[sflag:s30] =	ssyncadd.s32 $0xFFFF9A00  }
0x6f: {  	[tilespmem:v2+s31+$0x0] =	vst.idx.msk $0xffff, v1  }
0x70: {  	[tilespmem:v3+s31+$0x0] =	vst.idx.msk $0xffff, v1  }
0x71: {  	v2 =	vld [tilespmem:$0x100]  }
0x72: {  	v3 =	vld [tilespmem:$0x110];
	_ =	sdelay $0x6  }
0x73: {  	[tilespmem:v2+s31+$0x0] =	vst.idx.msk $0xffff, v0  }
0x74: {  	[tilespmem:v3+s31+$0x0] =	vst.idx.msk $0xffff, v0  }
0x75: {  	[hbm4b:s4+s0] =	stream.strided.scatter [tilespmem:s31], [sflag:$0x1], $0x6600, s31, s0, $0x38;
	[tilespmem:$0x6A00] =	vst v63  }
0x76: {  	_ =	swait.ge [sflag:s30], $0x6600  }
0x77: {  	[sflag:s30] =	ssyncset.done $0x0  }
0x78: {  	[sflag:s30] =	ssyncadd.s32 $0xFFFF9A00  }
0x79: {  	[tilespmem:v2+s31+$0x0] =	vst.idx.msk $0xffff, v1  }
0x7a: {  	[tilespmem:v3+s31+$0x0] =	vst.idx.msk $0xffff, v1  }
0x7b: {  	v2 =	vld [tilespmem:$0x120]  }
0x7c: {  	v3 =	vld [tilespmem:$0x130];
	_ =	sdelay $0x6  }
0x7d: {  	[tilespmem:v2+s31+$0x0] =	vst.idx.msk $0xffff, v0  }
0x7e: {  	[tilespmem:v3+s31+$0x0] =	vst.idx.msk $0xffff, v0  }
0x7f: {  	[hbm4b:s5+s0] =	stream.strided.scatter [tilespmem:s31], [sflag:$0x1], $0x6600, s31, s0, $0x38;
	[tilespmem:$0x6A00] =	vst v63  }
0x80: {  	_ =	swait.ge [sflag:s30], $0x6600  }
0x81: {  	[sflag:s30] =	ssyncset.done $0x0  }
0x82: {  	[sflag:s30] =	ssyncadd.s32 $0xFFFF9A00  }
0x83: {  	[tilespmem:v2+s31+$0x0] =	vst.idx.msk $0xffff, v1  }
0x84: {  	[tilespmem:v3+s31+$0x0] =	vst.idx.msk $0xffff, v1  }
0x85: {  	v2 =	vld [tilespmem:$0x140]  }
0x86: {  	v3 =	vld [tilespmem:$0x150];
	_ =	sdelay $0x6  }
0x87: {  	[tilespmem:v2+s31+$0x0] =	vst.idx.msk $0xffff, v0  }
0x88: {  	[tilespmem:v3+s31+$0x0] =	vst.idx.msk $0xffff, v0  }
0x89: {  	[hbm4b:s6+s0] =	stream.strided.scatter [tilespmem:s31], [sflag:$0x1], $0x6600, s31, s0, $0x38;
	[tilespmem:$0x6A00] =	vst v63  }
0x8a: {  	_ =	swait.ge [sflag:s30], $0x6600  }
0x8b: {  	[sflag:s30] =	ssyncset.done $0x0  }
0x8c: {  	[sflag:s30] =	ssyncadd.s32 $0xFFFF9A00  }
0x8d: {  	[tilespmem:v2+s31+$0x0] =	vst.idx.msk $0xffff, v1  }
0x8e: {  	[tilespmem:v3+s31+$0x0] =	vst.idx.msk $0xffff, v1  }
0x8f: {  	v2 =	vld [tilespmem:$0x160]  }
0x90: {  	v3 =	vld [tilespmem:$0x170];
	_ =	sdelay $0x6  }
0x91: {  	[tilespmem:v2+s31+$0x0] =	vst.idx.msk $0xffff, v0  }
0x92: {  	[tilespmem:v3+s31+$0x0] =	vst.idx.msk $0xffff, v0  }
0x93: {  	[hbm4b:s7+s0] =	stream.strided.scatter [tilespmem:s31], [sflag:$0x1], $0x6600, s31, s0, $0x38;
	[tilespmem:$0x6A00] =	vst v63  }
0x94: {  	_ =	swait.ge [sflag:s30], $0x6600  }
0x95: {  	[sflag:s30] =	ssyncset.done $0x0  }
0x96: {  	[sflag:s30] =	ssyncadd.s32 $0xFFFF9A00  }
0x97: {  	[tilespmem:v2+s31+$0x0] =	vst.idx.msk $0xffff, v1  }
0x98: {  	[tilespmem:v3+s31+$0x0] =	vst.idx.msk $0xffff, v1  }
0x99: {  	v2 =	vld [tilespmem:$0x180]  }
0x9a: {  	v3 =	vld [tilespmem:$0x190];
	_ =	sdelay $0x6  }
0x9b: {  	[tilespmem:v2+s31+$0x0] =	vst.idx.msk $0xffff, v0  }
0x9c: {  	[tilespmem:v3+s31+$0x0] =	vst.idx.msk $0xffff, v0  }
0x9d: {  	[hbm4b:s8+s0] =	stream.strided.scatter [tilespmem:s31], [sflag:$0x1], $0x6600, s31, s0, $0x38;
	[tilespmem:$0x6A00] =	vst v63  }
0x9e: {  	_ =	swait.ge [sflag:s30], $0x6600  }
0x9f: {  	[sflag:s30] =	ssyncset.done $0x0  }
0xa0: {  	[sflag:s30] =	ssyncadd.s32 $0xFFFF9A00  }
0xa1: {  	[tilespmem:v2+s31+$0x0] =	vst.idx.msk $0xffff, v1  }
0xa2: {  	[tilespmem:v3+s31+$0x0] =	vst.idx.msk $0xffff, v1  }
0xa3: {  	v2 =	vld [tilespmem:$0x1A0]  }
0xa4: {  	v3 =	vld [tilespmem:$0x1B0];
	_ =	sdelay $0x6  }
0xa5: {  	[tilespmem:v2+s31+$0x0] =	vst.idx.msk $0xffff, v0  }
0xa6: {  	[tilespmem:v3+s31+$0x0] =	vst.idx.msk $0xffff, v0  }
0xa7: {  	[hbm4b:s9+s0] =	stream.strided.scatter [tilespmem:s31], [sflag:$0x1], $0x6600, s31, s0, $0x38;
	[tilespmem:$0x6A00] =	vst v63  }
0xa8: {  	_ =	swait.ge [sflag:s30], $0x6600  }
0xa9: {  	[sflag:s30] =	ssyncset.done $0x0  }
0xaa: {  	[sflag:s30] =	ssyncadd.s32 $0xFFFF9A00  }
0xab: {  	[tilespmem:v2+s31+$0x0] =	vst.idx.msk $0xffff, v1  }
0xac: {  	[tilespmem:v3+s31+$0x0] =	vst.idx.msk $0xffff, v1  }
0xad: {  	v2 =	vld [tilespmem:$0x1C0]  }
0xae: {  	v3 =	vld [tilespmem:$0x1D0];
	_ =	sdelay $0x6  }
0xaf: {  	[tilespmem:v2+s31+$0x0] =	vst.idx.msk $0xffff, v0  }
0xb0: {  	[tilespmem:v3+s31+$0x0] =	vst.idx.msk $0xffff, v0  }
0xb1: {  	[hbm4b:s10+s0] =	stream.strided.scatter [tilespmem:s31], [sflag:$0x1], $0x6600, s31, s0, $0x38;
	[tilespmem:$0x6A00] =	vst v63  }
0xb2: {  	_ =	swait.ge [sflag:s30], $0x6600  }
0xb3: {  	[sflag:s30] =	ssyncset.done $0x0  }
0xb4: {  	[sflag:s30] =	ssyncadd.s32 $0xFFFF9A00  }
0xb5: {  	[tilespmem:v2+s31+$0x0] =	vst.idx.msk $0xffff, v1  }
0xb6: {  	[tilespmem:v3+s31+$0x0] =	vst.idx.msk $0xffff, v1  }
0xb7: {  	v2 =	vld [tilespmem:$0x1E0]  }
0xb8: {  	v3 =	vld [tilespmem:$0x1F0];
	_ =	sdelay $0x6  }
0xb9: {  	[tilespmem:v2+s31+$0x0] =	vst.idx.msk $0xffff, v0  }
0xba: {  	[tilespmem:v3+s31+$0x0] =	vst.idx.msk $0xffff, v0  }
0xbb: {  	[hbm4b:s11+s0] =	stream.strided.scatter [tilespmem:s31], [sflag:$0x1], $0x6600, s31, s0, $0x38;
	[tilespmem:$0x6A00] =	vst v63  }
0xbc: {  	_ =	swait.ge [sflag:s30], $0x6600  }
0xbd: {  	[sflag:s30] =	ssyncset.done $0x0  }
0xbe: {  	[sflag:s30] =	ssyncadd.s32 $0xFFFF9A00  }
0xbf: {  	[tilespmem:v2+s31+$0x0] =	vst.idx.msk $0xffff, v1  }
0xc0: {  	[tilespmem:v3+s31+$0x0] =	vst.idx.msk $0xffff, v1  }
0xc1: {  	v2 =	vld [tilespmem:$0x200]  }
0xc2: {  	v3 =	vld [tilespmem:$0x210];
	_ =	sdelay $0x6  }
0xc3: {  	[tilespmem:v2+s31+$0x0] =	vst.idx.msk $0xffff, v0  }
0xc4: {  	[tilespmem:v3+s31+$0x0] =	vst.idx.msk $0xffff, v0  }
0xc5: {  	[hbm4b:s12+s0] =	stream.strided.scatter [tilespmem:s31], [sflag:$0x1], $0x6600, s31, s0, $0x38;
	[tilespmem:$0x6A00] =	vst v63  }
0xc6: {  	_ =	swait.ge [sflag:s30], $0x6600  }
0xc7: {  	[sflag:s30] =	ssyncset.done $0x0  }
0xc8: {  	[sflag:s30] =	ssyncadd.s32 $0xFFFF9A00  }
0xc9: {  	[tilespmem:v2+s31+$0x0] =	vst.idx.msk $0xffff, v1  }
0xca: {  	[tilespmem:v3+s31+$0x0] =	vst.idx.msk $0xffff, v1  }
0xcb: {  	v2 =	vld [tilespmem:$0x220]  }
0xcc: {  	v3 =	vld [tilespmem:$0x230];
	_ =	sdelay $0x6  }
0xcd: {  	[tilespmem:v2+s31+$0x0] =	vst.idx.msk $0xffff, v0  }
0xce: {  	[tilespmem:v3+s31+$0x0] =	vst.idx.msk $0xffff, v0  }
0xcf: {  	[hbm4b:s13+s0] =	stream.strided.scatter [tilespmem:s31], [sflag:$0x1], $0x6600, s31, s0, $0x38;
	[tilespmem:$0x6A00] =	vst v63  }
0xd0: {  	_ =	swait.ge [sflag:s30], $0x6600  }
0xd1: {  	[sflag:s30] =	ssyncset.done $0x0  }
0xd2: {  	[sflag:s30] =	ssyncadd.s32 $0xFFFF9A00  }
0xd3: {  	[tilespmem:v2+s31+$0x0] =	vst.idx.msk $0xffff, v1  }
0xd4: {  	[tilespmem:v3+s31+$0x0] =	vst.idx.msk $0xffff, v1  }
0xd5: {  	v2 =	vld [tilespmem:$0x240]  }
0xd6: {  	v3 =	vld [tilespmem:$0x250];
	_ =	sdelay $0x6  }
0xd7: {  	[tilespmem:v2+s31+$0x0] =	vst.idx.msk $0xffff, v0  }
0xd8: {  	[tilespmem:v3+s31+$0x0] =	vst.idx.msk $0xffff, v0  }
0xd9: {  	[hbm4b:s14+s0] =	stream.strided.scatter [tilespmem:s31], [sflag:$0x1], $0x6600, s31, s0, $0x38;
	[tilespmem:$0x6A00] =	vst v63  }
0xda: {  	_ =	swait.ge [sflag:s30], $0x6600  }
0xdb: {  	[sflag:s30] =	ssyncset.done $0x0  }
0xdc: {  	[sflag:s30] =	ssyncadd.s32 $0xFFFF9A00  }
0xdd: {  	[tilespmem:v2+s31+$0x0] =	vst.idx.msk $0xffff, v1  }
0xde: {  	[tilespmem:v3+s31+$0x0] =	vst.idx.msk $0xffff, v1  }
0xdf: {  	v2 =	vld [tilespmem:$0x260]  }
0xe0: {  	v3 =	vld [tilespmem:$0x270];
	_ =	sdelay $0x6  }
0xe1: {  	[tilespmem:v2+s31+$0x0] =	vst.idx.msk $0xffff, v0  }
0xe2: {  	[tilespmem:v3+s31+$0x0] =	vst.idx.msk $0xffff, v0  }
0xe3: {  	[hbm4b:s15+s0] =	stream.strided.scatter [tilespmem:s31], [sflag:$0x1], $0x6600, s31, s0, $0x38;
	[tilespmem:$0x6A00] =	vst v63  }
0xe4: {  	_ =	swait.ge [sflag:s30], $0x6600  }
0xe5: {  	[sflag:s30] =	ssyncset.done $0x0  }
0xe6: {  	[sflag:s30] =	ssyncadd.s32 $0xFFFF9A00  }
0xe7: {  	[tilespmem:v2+s31+$0x0] =	vst.idx.msk $0xffff, v1  }
0xe8: {  	[tilespmem:v3+s31+$0x0] =	vst.idx.msk $0xffff, v1  }
0xe9: {  	v2 =	vld [tilespmem:$0x280]  }
0xea: {  	v3 =	vld [tilespmem:$0x290];
	_ =	sdelay $0x6  }
0xeb: {  	[tilespmem:v2+s31+$0x0] =	vst.idx.msk $0xffff, v0  }
0xec: {  	[tilespmem:v3+s31+$0x0] =	vst.idx.msk $0xffff, v0  }
0xed: {  	[hbm4b:s16+s0] =	stream.strided.scatter [tilespmem:s31], [sflag:$0x1], $0x6600, s31, s0, $0x38;
	[tilespmem:$0x6A00] =	vst v63  }
0xee: {  	_ =	swait.ge [sflag:s30], $0x6600  }
0xef: {  	[sflag:s30] =	ssyncset.done $0x0  }
0xf0: {  	[sflag:s30] =	ssyncadd.s32 $0xFFFF9A00  }
0xf1: {  	[tilespmem:v2+s31+$0x0] =	vst.idx.msk $0xffff, v1  }
0xf2: {  	[tilespmem:v3+s31+$0x0] =	vst.idx.msk $0xffff, v1  }
0xf3: {  	v2 =	vld [tilespmem:$0x2A0]  }
0xf4: {  	v3 =	vld [tilespmem:$0x2B0];
	_ =	sdelay $0x6  }
0xf5: {  	[tilespmem:v2+s31+$0x0] =	vst.idx.msk $0xffff, v0  }
0xf6: {  	[tilespmem:v3+s31+$0x0] =	vst.idx.msk $0xffff, v0  }
0xf7: {  	[hbm4b:s17+s0] =	stream.strided.scatter [tilespmem:s31], [sflag:$0x1], $0x6600, s31, s0, $0x38;
	[tilespmem:$0x6A00] =	vst v63  }
0xf8: {  	_ =	swait.ge [sflag:s30], $0x6600  }
0xf9: {  	[sflag:s30] =	ssyncset.done $0x0  }
0xfa: {  	[sflag:s30] =	ssyncadd.s32 $0xFFFF9A00  }
0xfb: {  	[tilespmem:v2+s31+$0x0] =	vst.idx.msk $0xffff, v1  }
0xfc: {  	[tilespmem:v3+s31+$0x0] =	vst.idx.msk $0xffff, v1  }
0xfd: {  	v2 =	vld [tilespmem:$0x2C0]  }
0xfe: {  	v3 =	vld [tilespmem:$0x2D0];
	_ =	sdelay $0x6  }
0xff: {  	[tilespmem:v2+s31+$0x0] =	vst.idx.msk $0xffff, v0  }
0x100: {  	[tilespmem:v3+s31+$0x0] =	vst.idx.msk $0xffff, v0  }
0x101: {  	[hbm4b:s18+s0] =	stream.strided.scatter [tilespmem:s31], [sflag:$0x1], $0x6600, s31, s0, $0x38;
	[tilespmem:$0x6A00] =	vst v63  }
0x102: {  	_ =	swait.ge [sflag:s30], $0x6600  }
0x103: {  	[sflag:s30] =	ssyncset.done $0x0  }
0x104: {  	[sflag:s30] =	ssyncadd.s32 $0xFFFF9A00  }
0x105: {  	[tilespmem:v2+s31+$0x0] =	vst.idx.msk $0xffff, v1  }
0x106: {  	[tilespmem:v3+s31+$0x0] =	vst.idx.msk $0xffff, v1  }
0x107: {  	v2 =	vld [tilespmem:$0x2E0]  }
0x108: {  	v3 =	vld [tilespmem:$0x2F0];
	_ =	sdelay $0x6  }
0x109: {  	[tilespmem:v2+s31+$0x0] =	vst.idx.msk $0xffff, v0  }
0x10a: {  	[tilespmem:v3+s31+$0x0] =	vst.idx.msk $0xffff, v0  }
0x10b: {  	[hbm4b:s19+s0] =	stream.strided.scatter [tilespmem:s31], [sflag:$0x1], $0x6600, s31, s0, $0x38;
	[tilespmem:$0x6A00] =	vst v63  }
0x10c: {  	_ =	swait.ge [sflag:s30], $0x6600  }
0x10d: {  	[sflag:s30] =	ssyncset.done $0x0  }
0x10e: {  	[sflag:s30] =	ssyncadd.s32 $0xFFFF9A00  }
0x10f: {  	[tilespmem:v2+s31+$0x0] =	vst.idx.msk $0xffff, v1  }
0x110: {  	[tilespmem:v3+s31+$0x0] =	vst.idx.msk $0xffff, v1  }
0x111: {  	v2 =	vld [tilespmem:$0x300]  }
0x112: {  	v3 =	vld [tilespmem:$0x310];
	_ =	sdelay $0x6  }
0x113: {  	[tilespmem:v2+s31+$0x0] =	vst.idx.msk $0xffff, v0  }
0x114: {  	[tilespmem:v3+s31+$0x0] =	vst.idx.msk $0xffff, v0  }
0x115: {  	[hbm4b:s20+s0] =	stream.strided.scatter [tilespmem:s31], [sflag:$0x1], $0x6600, s31, s0, $0x38;
	[tilespmem:$0x6A00] =	vst v63  }
0x116: {  	_ =	swait.ge [sflag:s30], $0x6600  }
0x117: {  	[sflag:s30] =	ssyncset.done $0x0  }
0x118: {  	[sflag:s30] =	ssyncadd.s32 $0xFFFF9A00  }
0x119: {  	[tilespmem:v2+s31+$0x0] =	vst.idx.msk $0xffff, v1  }
0x11a: {  	[tilespmem:v3+s31+$0x0] =	vst.idx.msk $0xffff, v1  }
0x11b: {  	v2 =	vld [tilespmem:$0x320]  }
0x11c: {  	v3 =	vld [tilespmem:$0x330];
	_ =	sdelay $0x6  }
0x11d: {  	[tilespmem:v2+s31+$0x0] =	vst.idx.msk $0xffff, v0  }
0x11e: {  	[tilespmem:v3+s31+$0x0] =	vst.idx.msk $0xffff, v0  }
0x11f: {  	[hbm4b:s21+s0] =	stream.strided.scatter [tilespmem:s31], [sflag:$0x1], $0x6600, s31, s0, $0x38;
	[tilespmem:$0x6A00] =	vst v63  }
0x120: {  	_ =	swait.ge [sflag:s30], $0x6600  }
0x121: {  	[sflag:s30] =	ssyncset.done $0x0  }
0x122: {  	[sflag:s30] =	ssyncadd.s32 $0xFFFF9A00  }
0x123: {  	[tilespmem:v2+s31+$0x0] =	vst.idx.msk $0xffff, v1  }
0x124: {  	[tilespmem:v3+s31+$0x0] =	vst.idx.msk $0xffff, v1  }
0x125: {  	v2 =	vld [tilespmem:$0x340]  }
0x126: {  	v3 =	vld [tilespmem:$0x350];
	_ =	sdelay $0x6  }
0x127: {  	[tilespmem:v2+s31+$0x0] =	vst.idx.msk $0xffff, v0  }
0x128: {  	[tilespmem:v3+s31+$0x0] =	vst.idx.msk $0xffff, v0  }
0x129: {  	[hbm4b:s22+s0] =	stream.strided.scatter [tilespmem:s31], [sflag:$0x1], $0x6600, s31, s0, $0x38;
	[tilespmem:$0x6A00] =	vst v63  }
0x12a: {  	_ =	swait.ge [sflag:s30], $0x6600  }
0x12b: {  	[sflag:s30] =	ssyncset.done $0x0  }
0x12c: {  	[sflag:s30] =	ssyncadd.s32 $0xFFFF9A00  }
0x12d: {  	[tilespmem:v2+s31+$0x0] =	vst.idx.msk $0xffff, v1  }
0x12e: {  	[tilespmem:v3+s31+$0x0] =	vst.idx.msk $0xffff, v1  }
0x12f: {  	v2 =	vld [tilespmem:$0x360]  }
0x130: {  	v3 =	vld [tilespmem:$0x370];
	_ =	sdelay $0x6  }
0x131: {  	[tilespmem:v2+s31+$0x0] =	vst.idx.msk $0xffff, v0  }
0x132: {  	[tilespmem:v3+s31+$0x0] =	vst.idx.msk $0xffff, v0  }
0x133: {  	[hbm4b:s23+s0] =	stream.strided.scatter [tilespmem:s31], [sflag:$0x1], $0x6600, s31, s0, $0x38;
	[tilespmem:$0x6A00] =	vst v63  }
0x134: {  	_ =	swait.ge [sflag:s30], $0x6600  }
0x135: {  	[sflag:s30] =	ssyncset.done $0x0  }
0x136: {  	[sflag:s30] =	ssyncadd.s32 $0xFFFF9A00  }
0x137: {  	[tilespmem:v2+s31+$0x0] =	vst.idx.msk $0xffff, v1  }
0x138: {  	[tilespmem:v3+s31+$0x0] =	vst.idx.msk $0xffff, v1  }
0x139: {  	v2 =	vld [tilespmem:$0x380]  }
0x13a: {  	v3 =	vld [tilespmem:$0x390];
	_ =	sdelay $0x6  }
0x13b: {  	[tilespmem:v2+s31+$0x0] =	vst.idx.msk $0xffff, v0  }
0x13c: {  	[tilespmem:v3+s31+$0x0] =	vst.idx.msk $0xffff, v0  }
0x13d: {  	[hbm4b:s24+s0] =	stream.strided.scatter [tilespmem:s31], [sflag:$0x1], $0x6600, s31, s0, $0x38;
	[tilespmem:$0x6A00] =	vst v63  }
0x13e: {  	_ =	swait.ge [sflag:s30], $0x6600  }
0x13f: {  	[sflag:s30] =	ssyncset.done $0x0  }
0x140: {  	[sflag:s30] =	ssyncadd.s32 $0xFFFF9A00  }
0x141: {  	[tilespmem:v2+s31+$0x0] =	vst.idx.msk $0xffff, v1  }
0x142: {  	[tilespmem:v3+s31+$0x0] =	vst.idx.msk $0xffff, v1  }
0x143: {  	v2 =	vld [tilespmem:$0x3A0]  }
0x144: {  	v3 =	vld [tilespmem:$0x3B0];
	_ =	sdelay $0x6  }
0x145: {  	[tilespmem:v2+s31+$0x0] =	vst.idx.msk $0xffff, v0  }
0x146: {  	[tilespmem:v3+s31+$0x0] =	vst.idx.msk $0xffff, v0  }
0x147: {  	[hbm4b:s25+s0] =	stream.strided.scatter [tilespmem:s31], [sflag:$0x1], $0x6600, s31, s0, $0x38;
	[tilespmem:$0x6A00] =	vst v63  }
0x148: {  	_ =	swait.ge [sflag:s30], $0x6600  }
0x149: {  	[sflag:s30] =	ssyncset.done $0x0  }
0x14a: {  	[sflag:s30] =	ssyncadd.s32 $0xFFFF9A00  }
0x14b: {  	[tilespmem:v2+s31+$0x0] =	vst.idx.msk $0xffff, v1  }
0x14c: {  	[tilespmem:v3+s31+$0x0] =	vst.idx.msk $0xffff, v1  }
0x14d: {  	v2 =	vld [tilespmem:$0x3C0]  }
0x14e: {  	v3 =	vld [tilespmem:$0x3D0];
	_ =	sdelay $0x6  }
0x14f: {  	[tilespmem:v2+s31+$0x0] =	vst.idx.msk $0xffff, v0  }
0x150: {  	[tilespmem:v3+s31+$0x0] =	vst.idx.msk $0xffff, v0  }
0x151: {  	[hbm4b:s26+s0] =	stream.strided.scatter [tilespmem:s31], [sflag:$0x1], $0x6600, s31, s0, $0x38;
	[tilespmem:$0x6A00] =	vst v63  }
0x152: {  	_ =	swait.ge [sflag:s30], $0x6600  }
0x153: {  	[sflag:s30] =	ssyncset.done $0x0  }
0x154: {  	[sflag:s30] =	ssyncadd.s32 $0xFFFF9A00  }
0x155: {  	[tilespmem:v2+s31+$0x0] =	vst.idx.msk $0xffff, v1  }
0x156: {  	[tilespmem:v3+s31+$0x0] =	vst.idx.msk $0xffff, v1  }
0x157: {  	v2 =	vld [tilespmem:$0x3E0]  }
0x158: {  	v3 =	vld [tilespmem:$0x3F0];
	_ =	sdelay $0x6  }
0x159: {  	[tilespmem:v2+s31+$0x0] =	vst.idx.msk $0xffff, v0  }
0x15a: {  	p0 =	sne.s32 s29, $0x1;
	[tilespmem:v3+s31+$0x0] =	vst.idx.msk $0xffff, v0  }
0x15b: {  	[hbm4b:s28+s0] =	stream.strided.scatter [tilespmem:s31], [sflag:$0x1], $0x6600, s31, s0, $0x38;
	[tilespmem:$0x6A00] =	vst v63  }
.Ltmp0:
0x15c: {  	_ =	swait.ge [sflag:s30], $0x6600;
	(pc) =	sbr.rel @p0 .LBB2_1-.Ltmp0, $4  }
0x15d: {  	[sflag:s30] =	ssyncset.done $0x0  }
0x15e: {  	[sflag:s30] =	ssyncadd.s32 $0xFFFF9A00  }
0x15f: {  	[tilespmem:v2+s31+$0x0] =	vst.idx.msk $0xffff, v1  }
0x160: {  	s29 =	sadd.s32 $0xFFFFFFFF, s29;
	[tilespmem:v3+s31+$0x0] =	vst.idx.msk $0xffff, v1  }
0x161: {  	_ =	sfence.sel $0x180000  }
0x162: {  	[bflag:$0x0] =	sbarrier.arrive $0xFFFF  }
0x163: {  	_ =	strace $0x90000047  }
0x164: {  	s0 =	stileid.u32;
	[bflag:$0x2] =	sbarrier.arrive $0xFFFF  }
0x165: {  	p0 =	sne.s32 s0, $0x0;
	s0 =	rddreg [dreg:$0x2]  }
0x166: {  	s0 =	sadd.s32 @!p0 $0x100000, s0  }
0x167: {  	[sflag:s0] =	ssyncadd.tile.s32 @!p0 $0x1;
	_ =	shalt  }
.Lfunc_end2:
_tile_overlayer_lowered:
.L_overlay_start_2:
0x168: {  	(tag) =	ssettag $0x2  }
0x169: {  	s0 =	rddreg [dreg:$0x0];
	s2 =	stileid.u32  }
0x16a: {  	s1 =	rddreg [dreg:$0x1];
	p0 =	sne.s32 s2, $0x0  }
0x16b: {  	s3 =	rddreg [dreg:$0x2];
	[bflag:$0x3] =	sbarrier.arrive $0xFFFF;
	s2 =	simm.s32 @!p0 $0x1C01  }
0x16c: {  	[timem:s3], [sflag:s2] =	dma.local @!p0 [hbm:s0], s1  }
0x16d: {  	s0 =	simm.s32 @!p0 $0x1  }
0x16e: {  	_ =	swait.ge @!p0 [sflag:s0], s1  }
0x16f: {  	s1 =	ssub.s32 @!p0 $0x0, s1;
	[sflag:s0] =	ssyncset.done @!p0 $0x0  }
0x170: {  	[sflag:s0] =	ssyncadd.s32 @!p0 s1  }
0x171: {  	[bflag:$0x3] =	sbarrier.arrive $0xFFFF  }
0x172: {  	_ =	shalt  }

</sc_bundles>
